<compile_context>
chip_gen: v7x
topology: tpu7x:2x2x1
jax: 0.10.2.dev20260603
libtpu: 0.0.44.dev20260713+nightly
codegen_flags: <defaults>
</compile_context>

<pallas_src>
import functools

import jax
import jax.numpy as jnp
from jax import lax
from jax.experimental import pallas as pl
from jax.experimental.pallas import tpu as pltpu
from jax.experimental.pallas import tpu_sc as plsc

N = 10000
E = 320000
D = 128
DE = 16
H = 8
DH = 16
DFF = 512
DEFF = 64
EPS = 1e-05

NPAD = 10240
NPAD2 = 11520
NW = 32
EPW = E // NW
CH = 80
NCH = EPW // CH
CH1 = 128
NCH1 = EPW // CH1
TAIL1 = EPW - NCH1 * CH1
DW = 2 * D
NG = E // CH


def _ln(x, g, b):
    mu = jnp.mean(x, axis=-1, keepdims=True)
    xc = x - mu
    var = jnp.mean(xc * xc, axis=-1, keepdims=True)
    return xc * lax.rsqrt(var + EPS) * g + b


def _gelu(x):
    return x * 0.5 * (1.0 + lax.erf(x * 0.7071067811865476))


def _tc1_body(x_ref, g_ref, b_ref, wq_ref, bq_ref, wk_ref, bk_ref,
              wv_ref, bv_ref, q_ref, kv_ref):
    xn = _ln(x_ref[...], g_ref[...], b_ref[...])
    q_ref[...] = jnp.dot(xn, wq_ref[...], preferred_element_type=jnp.float32) + bq_ref[...]
    kv_ref[:, :D] = jnp.dot(xn, wk_ref[...], preferred_element_type=jnp.float32) + bk_ref[...]
    kv_ref[:, D:] = jnp.dot(xn, wv_ref[...], preferred_element_type=jnp.float32) + bv_ref[...]


def _tc1(x, ln_x_g, ln_x_b, Wq, bq, Wk, bk, Wv, bv):
    BN = 2000
    grid = N // BN
    full = lambda shape: pl.BlockSpec(shape, lambda i: (0, 0))
    return pl.pallas_call(
        _tc1_body,
        grid=(grid,),
        in_specs=[
            pl.BlockSpec((BN, D), lambda i: (i, 0)),
            full((1, D)), full((1, D)),
            full((D, D)), full((1, D)),
            full((D, D)), full((1, D)),
            full((D, D)), full((1, D)),
        ],
        out_specs=[
            pl.BlockSpec((BN, D), lambda i: (i, 0)),
            pl.BlockSpec((BN, 2 * D), lambda i: (i, 0)),
        ],
        out_shape=[
            jax.ShapeDtypeStruct((N, D), jnp.float32),
            jax.ShapeDtypeStruct((N, 2 * D), jnp.float32),
        ],
    )(x, ln_x_g, ln_x_b, Wq, bq, Wk, bk, Wv, bv)


def _sc1_body(dst_ref, src_ref, q_ref, kv_ref, qd_ref, kvs_ref,
              idxd, idxs, qbuf, kvbuf, sem1, sem2, sem3):
    wid = lax.axis_index("s") * 2 + lax.axis_index("c")
    base = pl.multiple_of(wid * EPW, 8)

    pltpu.sync_copy(dst_ref.at[pl.ds(base, EPW)], idxd)
    pltpu.sync_copy(src_ref.at[pl.ds(base, EPW)], idxs)

    def chunk(i, carry):
        off = pl.multiple_of(base + i * CH1, 8)
        c1 = pltpu.async_copy(q_ref.at[idxd.at[pl.ds(i * CH1, CH1)]], qbuf, sem1)
        c2 = pltpu.async_copy(kv_ref.at[idxs.at[pl.ds(i * CH1, CH1)]], kvbuf, sem2)
        c1.wait()
        w1 = pltpu.async_copy(qbuf, qd_ref.at[pl.ds(off, CH1)], sem3)
        c2.wait()
        pltpu.sync_copy(kvbuf, kvs_ref.at[pl.ds(off, CH1)])
        w1.wait()
        return carry

    lax.fori_loop(0, NCH1, chunk, 0)

    toff = pl.multiple_of(base + NCH1 * CH1, 8)
    t1 = pltpu.async_copy(q_ref.at[idxd.at[pl.ds(NCH1 * CH1, TAIL1)]],
                          qbuf.at[pl.ds(0, TAIL1)], sem1)
    t2 = pltpu.async_copy(kv_ref.at[idxs.at[pl.ds(NCH1 * CH1, TAIL1)]],
                          kvbuf.at[pl.ds(0, TAIL1)], sem2)
    t1.wait()
    t2.wait()
    pltpu.sync_copy(qbuf.at[pl.ds(0, TAIL1)], qd_ref.at[pl.ds(toff, TAIL1)])
    pltpu.sync_copy(kvbuf.at[pl.ds(0, TAIL1)], kvs_ref.at[pl.ds(toff, TAIL1)])


def _sc1(dst, src, q, kv):
    mesh = plsc.VectorSubcoreMesh(core_axis_name="c", subcore_axis_name="s")
    f = functools.partial(
        pl.kernel,
        mesh=mesh,
        out_type=[
            jax.ShapeDtypeStruct((E, D), jnp.float32),
            jax.ShapeDtypeStruct((E, 2 * D), jnp.float32),
        ],
        scratch_types=[
            pltpu.VMEM((EPW,), jnp.int32),
            pltpu.VMEM((EPW,), jnp.int32),
            pltpu.VMEM((CH1, D), jnp.float32),
            pltpu.VMEM((CH1, 2 * D), jnp.float32),
            pltpu.SemaphoreType.DMA,
            pltpu.SemaphoreType.DMA,
            pltpu.SemaphoreType.DMA,
        ],
    )(_sc1_body)
    return f(dst, src, q, kv)


def _tc2_body(qd_ref, kvs_ref, ef_ref, dst_ref, we_ref, be_ref, woe_ref, boe_ref,
              lng_ref, lnb_ref, sel_ref, selt_ref,
              fg_ref, fb_ref, w1_ref, b1_ref, w2_ref, b2_ref,
              eout_ref, wva_ref, dst2_ref):
    ks = kvs_ref[:, :D]
    vs = kvs_ref[:, D:]
    ef = ef_ref[...]
    en = _ln(ef, lng_ref[...], lnb_ref[...])
    ep = jnp.dot(en, we_ref[...], preferred_element_type=jnp.float32) + be_ref[...]
    score = qd_ref[...] * ks * ep * 0.25
    e_att = jnp.dot(score, woe_ref[...], preferred_element_type=jnp.float32) + boe_ref[...]
    logits = jnp.dot(score, sel_ref[...], preferred_element_type=jnp.float32)
    a = jnp.exp(logits)
    ab = jnp.dot(a, selt_ref[...], preferred_element_type=jnp.float32)
    wva = jnp.concatenate([ab * vs, ab], axis=1)

    ng = wva.shape[0] // CH
    d3 = dst_ref[...].reshape(-1, CH)
    eq = (d3[:, :, None] == d3[:, None, :])
    eqf = eq.astype(jnp.float32)
    ii = lax.broadcasted_iota(jnp.int32, (CH, CH), 0)
    jj = lax.broadcasted_iota(jnp.int32, (CH, CH), 1)
    tm = (jj < ii).astype(jnp.float32)
    before = jnp.sum(eqf * tm[None], axis=2)
    first = before == 0.0
    rows3 = wva.reshape(ng, CH, DW)
    comb = lax.dot_general(eqf, rows3, (((2,), (1,)), ((0,), (0,))),
                           preferred_element_type=jnp.float32)
    rows3 = jnp.where(first[:, :, None], comb, 0.0)
    wva_ref[...] = rows3.reshape(ng * CH, DW)
    dst2_ref[...] = jnp.where(first, d3, NPAD).reshape(ng, 1, CH)

    e1 = e_att + ef
    h = _ln(e1, fg_ref[...], fb_ref[...])
    h = _gelu(jnp.dot(h, w1_ref[...], preferred_element_type=jnp.float32) + b1_ref[...])
    eout_ref[...] = jnp.dot(h, w2_ref[...], preferred_element_type=jnp.float32) + b2_ref[...] + e1


def _tc2(qd, kvs, ef, dst3, We, be, Woe, boe, ln_e_g, ln_e_b, sel, selt,
         ffe_ln_g, ffe_ln_b, ffe_W1, ffe_b1, ffe_W2, ffe_b2):
    BE = 2000
    GB = BE // CH
    grid = E // BE
    full = lambda shape: pl.BlockSpec(shape, lambda i: (0, 0))
    return pl.pallas_call(
        _tc2_body,
        grid=(grid,),
        in_specs=[
            pl.BlockSpec((BE, D), lambda i: (i, 0)),
            pl.BlockSpec((BE, 2 * D), lambda i: (i, 0)),
            pl.BlockSpec((BE, DE), lambda i: (i, 0)),
            pl.BlockSpec((GB, 1, CH), lambda i: (i, 0, 0)),
            full((DE, D)), full((1, D)),
            full((D, DE)), full((1, DE)),
            full((1, DE)), full((1, DE)),
            full((D, H)), full((H, D)),
            full((1, DE)), full((1, DE)),
            full((DE, DEFF)), full((1, DEFF)),
            full((DEFF, DE)), full((1, DE)),
        ],
        out_specs=[
            pl.BlockSpec((BE, DE), lambda i: (i, 0)),
            pl.BlockSpec((BE, DW), lambda i: (i, 0)),
            pl.BlockSpec((GB, 1, CH), lambda i: (i, 0, 0)),
        ],
        out_shape=[
            jax.ShapeDtypeStruct((E, DE), jnp.float32),
            jax.ShapeDtypeStruct((E, DW), jnp.float32),
            jax.ShapeDtypeStruct((NG, 1, CH), jnp.int32),
        ],
    )(qd, kvs, ef, dst3, We, be, Woe, boe, ln_e_g, ln_e_b, sel, selt,
      ffe_ln_g, ffe_ln_b, ffe_W1, ffe_b1, ffe_W2, ffe_b2)


def _sc3_body(dst2_ref, wva_ref, zin_ref, oacc_ref, idxbuf, rowbuf, rowbuf2,
              accbuf, zbuf, sem1, sem2):
    c = lax.axis_index("c")
    s = lax.axis_index("s")
    wid = s * 2 + c
    base = pl.multiple_of(wid * EPW, 8)
    gbase = wid * NCH
    pbase = wid * NPAD2

    pltpu.sync_copy(zin_ref, zbuf)

    def zrow(i, carry):
        pltpu.async_copy(zbuf, oacc_ref.at[pl.ds(pbase + i * CH, CH)], sem2)
        return carry
    lax.fori_loop(0, NPAD2 // CH, zrow, 0)

    def zdrain(i, carry):
        pltpu.make_async_copy(zin_ref, zbuf, sem2).wait()
        return carry
    lax.fori_loop(0, NPAD2 // CH, zdrain, 0)

    pltpu.sync_copy(dst2_ref.at[pl.ds(base, EPW)], idxbuf)

    def addb(v, carry):
        idxbuf[pl.ds(v * 16, 16)] = idxbuf[pl.ds(v * 16, 16)] + pbase
        return carry
    lax.fori_loop(0, EPW // 16, addb, 0)

    def chunk(i, carry):
        off = pl.multiple_of(base + i * CH, 8)
        cw = pltpu.async_copy(wva_ref.at[pl.ds(off, CH)], rowbuf, sem2)
        cg = pltpu.async_copy(oacc_ref.at[idxbuf.at[pl.ds(i * CH, CH)]],
                              accbuf, sem1)
        cw.wait()
        cg.wait()

        def rmw(r, cc):
            for j in range(DW // 16):
                accbuf[r, pl.ds(j * 16, 16)] = (
                    accbuf[r, pl.ds(j * 16, 16)] + rowbuf[r, pl.ds(j * 16, 16)])
            return cc
        lax.fori_loop(0, CH, rmw, 0)

        pltpu.sync_copy(accbuf, oacc_ref.at[idxbuf.at[pl.ds(i * CH, CH)]])
        return carry

    lax.fori_loop(0, NCH, chunk, 0)


def _sc3(dst2, wva, zin):
    mesh = plsc.VectorSubcoreMesh(core_axis_name="c", subcore_axis_name="s")
    f = functools.partial(
        pl.kernel,
        mesh=mesh,
        out_type=jax.ShapeDtypeStruct((NW * NPAD2, DW), jnp.float32),
        scratch_types=[
            pltpu.VMEM((EPW,), jnp.int32),
            pltpu.VMEM((CH, DW), jnp.float32),
            pltpu.VMEM((CH, DW), jnp.float32),
            pltpu.VMEM((CH, DW), jnp.float32),
            pltpu.VMEM((CH, DW), jnp.float32),
            pltpu.SemaphoreType.DMA,
            pltpu.SemaphoreType.DMA,
        ],
    )(_sc3_body)
    return f(dst2, wva, zin)


def _tc2b_body(p_ref, acc_ref, accsc):
    w = pl.program_id(1)

    @pl.when(w == 0)
    def _():
        accsc[...] = p_ref[...]

    @pl.when(w > 0)
    def _():
        accsc[...] = accsc[...] + p_ref[...]

    @pl.when(w == NW - 1)
    def _():
        acc_ref[...] = accsc[...]


def _tc2b(parts):
    BN = 1280
    grid_i = NPAD // BN
    stride = NPAD2 // BN
    return pl.pallas_call(
        _tc2b_body,
        grid=(grid_i, NW),
        in_specs=[pl.BlockSpec((BN, DW), lambda i, w: (w * stride + i, 0))],
        out_specs=pl.BlockSpec((BN, DW), lambda i, w: (i, 0)),
        out_shape=jax.ShapeDtypeStruct((NPAD, DW), jnp.float32),
        scratch_shapes=[pltpu.VMEM((BN, DW), jnp.float32)],
    )(parts)


def _tc3_body(x_ref, acc_ref, wox_ref, box_ref, lng_ref, lnb_ref,
              w1_ref, b1_ref, w2_ref, b2_ref, out_ref):
    agg = acc_ref[:, :D]
    den = acc_ref[:, D:]
    xa = agg / (den + 1e-9)
    x_att = jnp.dot(xa, wox_ref[...], preferred_element_type=jnp.float32) + box_ref[...]
    x1 = x_att + x_ref[...]
    h = _ln(x1, lng_ref[...], lnb_ref[...])
    h = _gelu(jnp.dot(h, w1_ref[...], preferred_element_type=jnp.float32) + b1_ref[...])
    out_ref[...] = jnp.dot(h, w2_ref[...], preferred_element_type=jnp.float32) + b2_ref[...] + x1


def _tc3(xpad, acc, Wox, box, ffx_ln_g, ffx_ln_b, ffx_W1, ffx_b1, ffx_W2, ffx_b2):
    BN = 1280
    grid = NPAD // BN
    full = lambda shape: pl.BlockSpec(shape, lambda i: (0, 0))
    return pl.pallas_call(
        _tc3_body,
        grid=(grid,),
        in_specs=[
            pl.BlockSpec((BN, D), lambda i: (i, 0)),
            pl.BlockSpec((BN, DW), lambda i: (i, 0)),
            full((D, D)), full((1, D)),
            full((1, D)), full((1, D)),
            full((D, DFF)), full((1, DFF)),
            full((DFF, D)), full((1, D)),
        ],
        out_specs=pl.BlockSpec((BN, D), lambda i: (i, 0)),
        out_shape=jax.ShapeDtypeStruct((NPAD, D), jnp.float32),
    )(xpad, acc, Wox, box, ffx_ln_g, ffx_ln_b, ffx_W1, ffx_b1, ffx_W2, ffx_b2)


def kernel(x, edge_index, edge_features, Wq, bq, Wk, bk, Wv, bv, We, be,
           Wox, box, Woe, boe, ln_x_g, ln_x_b, ln_e_g, ln_e_b,
           ffx_ln_g, ffx_ln_b, ffx_W1, ffx_b1, ffx_W2, ffx_b2,
           ffe_ln_g, ffe_ln_b, ffe_W1, ffe_b1, ffe_W2, ffe_b2):
    src = edge_index[0]
    dst = edge_index[1]
    r = lambda v: v.reshape(1, -1)

    hd = jnp.arange(D, dtype=jnp.int32) // DH
    sel = (hd[:, None] == jnp.arange(H, dtype=jnp.int32)[None, :]).astype(jnp.float32)
    selt = sel.T

    q, kv = _tc1(x, r(ln_x_g), r(ln_x_b), Wq, r(bq), Wk, r(bk), Wv, r(bv))
    qd, kvs = _sc1(dst, src, q, kv)
    e_out, wva, dst2 = _tc2(
        qd, kvs, edge_features, dst.reshape(NG, 1, CH), We, r(be), Woe, r(boe),
        r(ln_e_g), r(ln_e_b), sel, selt,
        r(ffe_ln_g), r(ffe_ln_b), ffe_W1, r(ffe_b1), ffe_W2, r(ffe_b2))
    parts = _sc3(dst2.reshape(E), wva, jnp.zeros((CH, DW), jnp.float32))
    acc = _tc2b(parts)
    xpad = jnp.zeros((NPAD, D), jnp.float32).at[:N].set(x)
    x_out = _tc3(
        xpad, acc, Wox, r(box), r(ffx_ln_g), r(ffx_ln_b),
        ffx_W1, r(ffx_b1), ffx_W2, r(ffx_b2))[:N]
    return (x_out, e_out)

# --- scband reference (transcript-rebuilt; emitter-appended) ---
"""Pipeline reference for scband-graph-transformer-layer-54211077210468 (READ-ONLY COPY).

The authoritative reference and input builder live on the scoring server;
editing this copy changes nothing except your own understanding.
"""

import jax, jax.numpy as jnp
import numpy as np

N = 10000
E = 320000
D = 128
DE = 16
H = 8
DH = D // H  # 16
DFF = 512
DEFF = 64
EPS = 1e-05


def _ln(x, g, b):
    mu = jnp.mean(x, axis=-1, keepdims=True)
    var = jnp.mean((x - mu) ** 2, axis=-1, keepdims=True)
    return (x - mu) / jnp.sqrt(var + EPS) * g + b


def setup_inputs(seed: int = 0) -> dict:
    key = jax.random.key(seed)
    ks = jax.random.split(key, 32)
    inp = {}
    inp["x"] = jax.random.normal(ks[0], (N, D), dtype=jnp.float32)
    inp["edge_index"] = jax.random.randint(ks[1], (2, E), 0, N, dtype=jnp.int32)
    inp["edge_features"] = jax.random.normal(ks[2], (E, DE), dtype=jnp.float32)
    s_d = 1.0 / np.sqrt(D)
    s_de = 1.0 / np.sqrt(DE)
    inp["Wq"] = jax.random.normal(ks[3], (D, D), dtype=jnp.float32) * s_d
    inp["bq"] = jnp.zeros((D,), dtype=jnp.float32)
    inp["Wk"] = jax.random.normal(ks[4], (D, D), dtype=jnp.float32) * s_d
    inp["bk"] = jnp.zeros((D,), dtype=jnp.float32)
    inp["Wv"] = jax.random.normal(ks[5], (D, D), dtype=jnp.float32) * s_d
    inp["bv"] = jnp.zeros((D,), dtype=jnp.float32)
    inp["We"] = jax.random.normal(ks[6], (DE, D), dtype=jnp.float32) * s_de
    inp["be"] = jnp.zeros((D,), dtype=jnp.float32)
    inp["Wox"] = jax.random.normal(ks[7], (D, D), dtype=jnp.float32) * s_d
    inp["box"] = jnp.zeros((D,), dtype=jnp.float32)
    inp["Woe"] = jax.random.normal(ks[8], (D, DE), dtype=jnp.float32) * s_d
    inp["boe"] = jnp.zeros((DE,), dtype=jnp.float32)
    inp["ln_x_g"] = jnp.ones((D,), dtype=jnp.float32)
    inp["ln_x_b"] = jnp.zeros((D,), dtype=jnp.float32)
    inp["ln_e_g"] = jnp.ones((DE,), dtype=jnp.float32)
    inp["ln_e_b"] = jnp.zeros((DE,), dtype=jnp.float32)
    inp["ffx_ln_g"] = jnp.ones((D,), dtype=jnp.float32)
    inp["ffx_ln_b"] = jnp.zeros((D,), dtype=jnp.float32)
    inp["ffx_W1"] = jax.random.normal(ks[9], (D, DFF), dtype=jnp.float32) * s_d
    inp["ffx_b1"] = jnp.zeros((DFF,), dtype=jnp.float32)
    inp["ffx_W2"] = jax.random.normal(ks[10], (DFF, D), dtype=jnp.float32) * (1.0 / np.sqrt(DFF))
    inp["ffx_b2"] = jnp.zeros((D,), dtype=jnp.float32)
    inp["ffe_ln_g"] = jnp.ones((DE,), dtype=jnp.float32)
    inp["ffe_ln_b"] = jnp.zeros((DE,), dtype=jnp.float32)
    inp["ffe_W1"] = jax.random.normal(ks[11], (DE, DEFF), dtype=jnp.float32) * s_de
    inp["ffe_b1"] = jnp.zeros((DEFF,), dtype=jnp.float32)
    inp["ffe_W2"] = jax.random.normal(ks[12], (DEFF, DE), dtype=jnp.float32) * (1.0 / np.sqrt(DEFF))
    inp["ffe_b2"] = jnp.zeros((DE,), dtype=jnp.float32)
    return inp


def reference(x, edge_index, edge_features, Wq, bq, Wk, bk, Wv, bv, We, be, Wox, box,
              Woe, boe, ln_x_g, ln_x_b, ln_e_g, ln_e_b,
              ffx_ln_g, ffx_ln_b, ffx_W1, ffx_b1, ffx_W2, ffx_b2,
              ffe_ln_g, ffe_ln_b, ffe_W1, ffe_b1, ffe_W2, ffe_b2):
    src = edge_index[0]
    dst = edge_index[1]
    # GraphAttentionLayer: pre-LN, multi-head graph attention with edge features
    xn = _ln(x, ln_x_g, ln_x_b)
    en = _ln(edge_features, ln_e_g, ln_e_b)
    q = (xn @ Wq + bq).reshape(N, H, DH)
    k = (xn @ Wk + bk).reshape(N, H, DH)
    v = (xn @ Wv + bv).reshape(N, H, DH)
    ep = (en @ We + be).reshape(E, H, DH)
    # per-edge score modulated by projected edge features
    score = q[dst] * k[src] * ep / jnp.sqrt(jnp.float32(DH))  # [E, H, DH]
    # edge output branch
    e_att = score.reshape(E, H * DH) @ Woe + boe  # [E, DE]
    # softmax over incoming edges per destination node, per head
    logits = jnp.sum(score, axis=-1)  # [E, H]
    m = jax.ops.segment_max(logits, dst, num_segments=N)  # [N, H]
    a = jnp.exp(logits - m[dst])
    denom = jax.ops.segment_sum(a, dst, num_segments=N)  # [N, H]
    attn = a / (denom[dst] + 1e-9)  # [E, H]
    agg = jax.ops.segment_sum(attn[:, :, None] * v[src], dst, num_segments=N)  # [N, H, DH]
    x_att = agg.reshape(N, D) @ Wox + box
    # residuals
    x1 = x_att + x
    e1 = e_att + edge_features
    # FeedForward (node): LN -> Linear -> GELU -> Linear, + residual
    hx = _ln(x1, ffx_ln_g, ffx_ln_b)
    hx = jax.nn.gelu(hx @ ffx_W1 + ffx_b1, approximate=False) @ ffx_W2 + ffx_b2
    x_out = hx + x1
    # FeedForward (edge)
    he = _ln(e1, ffe_ln_g, ffe_ln_b)
    he = jax.nn.gelu(he @ ffe_W1 + ffe_b1, approximate=False) @ ffe_W2 + ffe_b2
    e_out = he + e1
    return (x_out, e_out)

if __name__ == "__main__":
    import jax
    _d = setup_inputs()
    print(jax.jit(kernel)(*tuple(_d.values())))

</pallas_src>

<mosaic_0001>
#map = affine_map<(d0, d1) -> (0)>
#map1 = affine_map<(d0, d1) -> (0, 0)>
module attributes {stable_mosaic.version = 14 : i64} {
  func.func @_sc3_body(%arg0: i32, %arg1: i32, %arg2: memref<320000xi32, #tpu.memory_space<hbm>>, %arg3: memref<320000x256xf32, #tpu.memory_space<hbm>>, %arg4: memref<80x256xf32, #tpu.memory_space<hbm>>, %arg5: memref<368640x256xf32, #tpu.memory_space<hbm>>, %arg6: memref<10000xi32, #tpu.memory_space<vmem>>, %arg7: memref<80x256xf32, #tpu.memory_space<vmem>>, %arg8: memref<80x256xf32, #tpu.memory_space<vmem>>, %arg9: memref<80x256xf32, #tpu.memory_space<vmem>>, %arg10: memref<80x256xf32, #tpu.memory_space<vmem>>, %arg11: memref<!tpu.dma_semaphore, #tpu.memory_space<semaphore_mem>>, %arg12: memref<!tpu.dma_semaphore, #tpu.memory_space<semaphore_mem>>) attributes {dimension_semantics = [#tpu.dimension_semantics<core_parallel>, #tpu.dimension_semantics<subcore_parallel>], iteration_bounds = array<i64: 2, 16>, scalar_prefetch = 0 : i64, scratch_operands = 7 : i64, tpu.core_type = #tpu.core_type<sc_vector_subcore>, window_params = [{transform_indices = #map}, {transform_indices = #map1}, {transform_indices = #map1}, {transform_indices = #map1}]} {
    %mul3A = arith.constant 2 : i32
    %mul3A_0 = arith.muli %arg1, %mul3A : i32
    %add3A = arith.addi %mul3A_0, %arg0 : i32
    %mul3A_1 = arith.constant 10000 : i32
    %mul3A_2 = arith.muli %add3A, %mul3A_1 : i32
    %multiple_of3A = tpu.assume_multiple %mul3A_2, 8 : i32
    %mul3A_3 = arith.constant 125 : i32
    %mul3A_4 = arith.muli %add3A, %mul3A_3 : i32
    %mul3A_5 = arith.constant 11520 : i32
    %mul3A_6 = arith.muli %add3A, %mul3A_5 : i32
    "tpu.region"() ({
      %run_scoped3A = tpu.sem_alloc : memref<!tpu.dma_semaphore, #tpu.memory_space<semaphore_mem>>
      tpu.enqueue_dma source(%arg4 : memref<80x256xf32, #tpu.memory_space<hbm>>) target(%arg10 : memref<80x256xf32, #tpu.memory_space<vmem>>) target_semaphore(%run_scoped3A : memref<!tpu.dma_semaphore, #tpu.memory_space<semaphore_mem>>)
      tpu.wait_dma2 semaphore(%run_scoped3A : memref<!tpu.dma_semaphore, #tpu.memory_space<semaphore_mem>>) src(%arg4 : memref<80x256xf32, #tpu.memory_space<hbm>>) dst(%arg10 : memref<80x256xf32, #tpu.memory_space<vmem>>)
      tpu.yield
    }) : () -> ()
    %scan3A = arith.constant 0 : i32
    %scan3A_7 = arith.constant 0 : i32
    %scan3A_8 = arith.constant 144 : i32
    %scan3A_9 = arith.addi %scan3A_7, %scan3A_8 : i32
    %scan3A_10 = arith.constant 1 : i32
    scf.for %scan3A_30 = %scan3A_7 to %scan3A_9 step %scan3A_10  : i32 {
      %mul3A_31 = arith.constant 80 : i32
      %mul3A_32 = arith.muli %scan3A_30, %mul3A_31 : i32
      %add3A_33 = arith.addi %mul3A_6, %mul3A_32 : i32
      %dma_start3A = arith.constant 0 : i32
      %dma_start3A_34 = tpu.memref_slice %arg5[%add3A_33, %dma_start3A] : memref<368640x256xf32, #tpu.memory_space<hbm>> -> memref<80x256xf32, #tpu.memory_space<hbm>>
      %dma_start3A_35 = arith.constant 0 : i32
      %dma_start3A_36 = tpu.memref_slice %arg5[%add3A_33, %dma_start3A_35] : memref<368640x256xf32, #tpu.memory_space<hbm>> -> memref<80x256xf32, #tpu.memory_space<hbm>>
      tpu.enqueue_dma source(%arg10 : memref<80x256xf32, #tpu.memory_space<vmem>>) target(%dma_start3A_36 : memref<80x256xf32, #tpu.memory_space<hbm>>) target_semaphore(%arg12 : memref<!tpu.dma_semaphore, #tpu.memory_space<semaphore_mem>>)
    }
    %scan3A_11 = arith.constant 144 : i32
    %scan3A_12 = arith.constant 0 : i32
    %scan3A_13 = arith.constant 0 : i32
    %scan3A_14 = arith.constant 144 : i32
    %scan3A_15 = arith.addi %scan3A_13, %scan3A_14 : i32
    %scan3A_16 = arith.constant 1 : i32
    scf.for %scan3A_30 = %scan3A_13 to %scan3A_15 step %scan3A_16  : i32 {
      tpu.wait_dma2 semaphore(%arg12 : memref<!tpu.dma_semaphore, #tpu.memory_space<semaphore_mem>>) src(%arg4 : memref<80x256xf32, #tpu.memory_space<hbm>>) dst(%arg10 : memref<80x256xf32, #tpu.memory_space<vmem>>)
    }
    %scan3A_17 = arith.constant 144 : i32
    "tpu.region"() ({
      %run_scoped3A = tpu.sem_alloc : memref<!tpu.dma_semaphore, #tpu.memory_space<semaphore_mem>>
      %dma_start3A = tpu.memref_slice %arg2[%multiple_of3A] : memref<320000xi32, #tpu.memory_space<hbm>> -> memref<10000xi32, #tpu.memory_space<hbm>>
      %dma_start3A_30 = tpu.memref_slice %arg2[%multiple_of3A] : memref<320000xi32, #tpu.memory_space<hbm>> -> memref<10000xi32, #tpu.memory_space<hbm>>
      tpu.enqueue_dma source(%dma_start3A_30 : memref<10000xi32, #tpu.memory_space<hbm>>) target(%arg6 : memref<10000xi32, #tpu.memory_space<vmem>>) target_semaphore(%run_scoped3A : memref<!tpu.dma_semaphore, #tpu.memory_space<semaphore_mem>>)
      %dma_wait3A = tpu.memref_slice %arg2[%multiple_of3A] : memref<320000xi32, #tpu.memory_space<hbm>> -> memref<10000xi32, #tpu.memory_space<hbm>>
      %dma_wait3A_31 = tpu.memref_slice %arg2[%multiple_of3A] : memref<320000xi32, #tpu.memory_space<hbm>> -> memref<10000xi32, #tpu.memory_space<hbm>>
      tpu.wait_dma2 semaphore(%run_scoped3A : memref<!tpu.dma_semaphore, #tpu.memory_space<semaphore_mem>>) src(%dma_wait3A_31 : memref<10000xi32, #tpu.memory_space<hbm>>) dst(%arg6 : memref<10000xi32, #tpu.memory_space<vmem>>)
      tpu.yield
    }) : () -> ()
    %scan3A_18 = arith.constant 0 : i32
    %scan3A_19 = arith.constant 0 : i32
    %scan3A_20 = arith.constant 625 : i32
    %scan3A_21 = arith.addi %scan3A_19, %scan3A_20 : i32
    %scan3A_22 = arith.constant 1 : i32
    scf.for %scan3A_30 = %scan3A_19 to %scan3A_21 step %scan3A_22  : i32 {
      %mul3A_31 = arith.constant 16 : i32
      %mul3A_32 = arith.muli %scan3A_30, %mul3A_31 : i32
      %get3A = arith.index_cast %mul3A_32 : i32 to index
      %get3A_33 = tpu.vector_load %arg6[%get3A] {strides = array<i32>} : memref<10000xi32, #tpu.memory_space<vmem>>, vector<16xi32>,
      %get3A_34 = vector.shape_cast %get3A_33 : vector<16xi32> to vector<16xi32>
      %add3A_35 = vector.broadcast %mul3A_6 : i32 to vector<16xi32>
      %add3A_36 = arith.addi %get3A_34, %add3A_35 : vector<16xi32>
      %mul3A_37 = arith.constant 16 : i32
      %mul3A_38 = arith.muli %scan3A_30, %mul3A_37 : i32
      %swap3A = arith.index_cast %mul3A_38 : i32 to index
      %swap3A_39 = tpu.vector_load %arg6[%swap3A] {strides = array<i32>} : memref<10000xi32, #tpu.memory_space<vmem>>, vector<16xi32>,
      %swap3A_40 = vector.shape_cast %swap3A_39 : vector<16xi32> to vector<16xi32>
      %swap3A_41 = vector.shape_cast %add3A_36 : vector<16xi32> to vector<16xi32>
      tpu.vector_store %arg6[%swap3A], %swap3A_41 {strides = array<i32>} : memref<10000xi32, #tpu.memory_space<vmem>>, vector<16xi32>,
    }
    %scan3A_23 = arith.constant 625 : i32
    %scan3A_24 = arith.constant 0 : i32
    %scan3A_25 = arith.constant 0 : i32
    %scan3A_26 = arith.constant 125 : i32
    %scan3A_27 = arith.addi %scan3A_25, %scan3A_26 : i32
    %scan3A_28 = arith.constant 1 : i32
    scf.for %scan3A_30 = %scan3A_25 to %scan3A_27 step %scan3A_28  : i32 {
      %mul3A_31 = arith.constant 80 : i32
      %mul3A_32 = arith.muli %scan3A_30, %mul3A_31 : i32
      %add3A_33 = arith.addi %multiple_of3A, %mul3A_32 : i32
      %multiple_of3A_34 = tpu.assume_multiple %add3A_33, 8 : i32
      %dma_start3A = arith.constant 0 : i32
      %dma_start3A_35 = tpu.memref_slice %arg3[%multiple_of3A_34, %dma_start3A] : memref<320000x256xf32, #tpu.memory_space<hbm>> -> memref<80x256xf32, #tpu.memory_space<hbm>>
      %dma_start3A_36 = arith.constant 0 : i32
      %dma_start3A_37 = tpu.memref_slice %arg3[%multiple_of3A_34, %dma_start3A_36] : memref<320000x256xf32, #tpu.memory_space<hbm>> -> memref<80x256xf32, #tpu.memory_space<hbm>>
      tpu.enqueue_dma source(%dma_start3A_37 : memref<80x256xf32, #tpu.memory_space<hbm>>) target(%arg7 : memref<80x256xf32, #tpu.memory_space<vmem>>) target_semaphore(%arg12 : memref<!tpu.dma_semaphore, #tpu.memory_space<semaphore_mem>>)
      %mul3A_38 = arith.constant 80 : i32
      %mul3A_39 = arith.muli %scan3A_30, %mul3A_38 : i32
      %dma_start3A_40 = tpu.memref_slice %arg6[%mul3A_39] : memref<10000xi32, #tpu.memory_space<vmem>> -> memref<80xi32, #tpu.memory_space<vmem>>
      %dma_start3A_41 = arith.constant 0 : i32
      %dma_start3A_42 = arith.constant 0 : i32
      %dma_start3A_43 = tpu.memref_slice %arg5[%dma_start3A_41, %dma_start3A_42] : memref<368640x256xf32, #tpu.memory_space<hbm>> -> memref<368640x256xf32, #tpu.memory_space<hbm>>
      tpu.enqueue_indirect_dma source(%dma_start3A_43 : memref<368640x256xf32, #tpu.memory_space<hbm>>) target(%arg9 : memref<80x256xf32, #tpu.memory_space<vmem>>) offsets(%dma_start3A_40 : memref<80xi32, #tpu.memory_space<vmem>>) semaphore(%arg11 : memref<!tpu.dma_semaphore, #tpu.memory_space<semaphore_mem>>)
      %dma_wait3A = arith.constant 0 : i32
      %dma_wait3A_44 = tpu.memref_slice %arg3[%multiple_of3A_34, %dma_wait3A] : memref<320000x256xf32, #tpu.memory_space<hbm>> -> memref<80x256xf32, #tpu.memory_space<hbm>>
      %dma_wait3A_45 = arith.constant 0 : i32
      %dma_wait3A_46 = tpu.memref_slice %arg3[%multiple_of3A_34, %dma_wait3A_45] : memref<320000x256xf32, #tpu.memory_space<hbm>> -> memref<80x256xf32, #tpu.memory_space<hbm>>
      tpu.wait_dma2 semaphore(%arg12 : memref<!tpu.dma_semaphore, #tpu.memory_space<semaphore_mem>>) src(%dma_wait3A_46 : memref<80x256xf32, #tpu.memory_space<hbm>>) dst(%arg7 : memref<80x256xf32, #tpu.memory_space<vmem>>)
      %dma_wait3A_47 = tpu.memref_slice %arg6[%mul3A_39] : memref<10000xi32, #tpu.memory_space<vmem>> -> memref<80xi32, #tpu.memory_space<vmem>>
      %dma_wait3A_48 = arith.constant 0 : i32
      %dma_wait3A_49 = arith.constant 0 : i32
      %dma_wait3A_50 = tpu.memref_slice %arg5[%dma_wait3A_48, %dma_wait3A_49] : memref<368640x256xf32, #tpu.memory_space<hbm>> -> memref<368640x256xf32, #tpu.memory_space<hbm>>
      tpu.wait_indirect_dma semaphore(%arg11 : memref<!tpu.dma_semaphore, #tpu.memory_space<semaphore_mem>>) src(%dma_wait3A_50 : memref<368640x256xf32, #tpu.memory_space<hbm>>) dst(%arg9 : memref<80x256xf32, #tpu.memory_space<vmem>>)
      %scan3A_51 = arith.constant 0 : i32
      %scan3A_52 = arith.constant 0 : i32
      %scan3A_53 = arith.constant 80 : i32
      %scan3A_54 = arith.addi %scan3A_52, %scan3A_53 : i32
      %scan3A_55 = arith.constant 1 : i32
      scf.for %scan3A_59 = %scan3A_52 to %scan3A_54 step %scan3A_55  : i32 {
        %get3A = arith.index_cast %scan3A_59 : i32 to index
        %get3A_60 = arith.constant 0 : index
        %get3A_61 = tpu.vector_load %arg9[%get3A, %get3A_60] {strides = array<i32>} : memref<80x256xf32, #tpu.memory_space<vmem>>, vector<1x16xf32>,
        %get3A_62 = vector.shape_cast %get3A_61 : vector<1x16xf32> to vector<16xf32>
        %get3A_63 = arith.index_cast %scan3A_59 : i32 to index
        %get3A_64 = arith.constant 0 : index
        %get3A_65 = tpu.vector_load %arg7[%get3A_63, %get3A_64] {strides = array<i32>} : memref<80x256xf32, #tpu.memory_space<vmem>>, vector<1x16xf32>,
        %get3A_66 = vector.shape_cast %get3A_65 : vector<1x16xf32> to vector<16xf32>
        %add3A_67 = arith.addf %get3A_62, %get3A_66 : vector<16xf32>
        %swap3A = arith.index_cast %scan3A_59 : i32 to index
        %swap3A_68 = arith.constant 0 : index
        %swap3A_69 = tpu.vector_load %arg9[%swap3A, %swap3A_68] {strides = array<i32>} : memref<80x256xf32, #tpu.memory_space<vmem>>, vector<1x16xf32>,
        %swap3A_70 = vector.shape_cast %swap3A_69 : vector<1x16xf32> to vector<16xf32>
        %swap3A_71 = vector.shape_cast %add3A_67 : vector<16xf32> to vector<1x16xf32>
        tpu.vector_store %arg9[%swap3A, %swap3A_68], %swap3A_71 {strides = array<i32>} : memref<80x256xf32, #tpu.memory_space<vmem>>, vector<1x16xf32>,
        %get3A_72 = arith.index_cast %scan3A_59 : i32 to index
        %get3A_73 = arith.constant 16 : index
        %get3A_74 = tpu.vector_load %arg9[%get3A_72, %get3A_73] {strides = array<i32>} : memref<80x256xf32, #tpu.memory_space<vmem>>, vector<1x16xf32>,
        %get3A_75 = vector.shape_cast %get3A_74 : vector<1x16xf32> to vector<16xf32>
        %get3A_76 = arith.index_cast %scan3A_59 : i32 to index
        %get3A_77 = arith.constant 16 : index
        %get3A_78 = tpu.vector_load %arg7[%get3A_76, %get3A_77] {strides = array<i32>} : memref<80x256xf32, #tpu.memory_space<vmem>>, vector<1x16xf32>,
        %get3A_79 = vector.shape_cast %get3A_78 : vector<1x16xf32> to vector<16xf32>
        %add3A_80 = arith.addf %get3A_75, %get3A_79 : vector<16xf32>
        %swap3A_81 = arith.index_cast %scan3A_59 : i32 to index
        %swap3A_82 = arith.constant 16 : index
        %swap3A_83 = tpu.vector_load %arg9[%swap3A_81, %swap3A_82] {strides = array<i32>} : memref<80x256xf32, #tpu.memory_space<vmem>>, vector<1x16xf32>,
        %swap3A_84 = vector.shape_cast %swap3A_83 : vector<1x16xf32> to vector<16xf32>
        %swap3A_85 = vector.shape_cast %add3A_80 : vector<16xf32> to vector<1x16xf32>
        tpu.vector_store %arg9[%swap3A_81, %swap3A_82], %swap3A_85 {strides = array<i32>} : memref<80x256xf32, #tpu.memory_space<vmem>>, vector<1x16xf32>,
        %get3A_86 = arith.index_cast %scan3A_59 : i32 to index
        %get3A_87 = arith.constant 32 : index
        %get3A_88 = tpu.vector_load %arg9[%get3A_86, %get3A_87] {strides = array<i32>} : memref<80x256xf32, #tpu.memory_space<vmem>>, vector<1x16xf32>,
        %get3A_89 = vector.shape_cast %get3A_88 : vector<1x16xf32> to vector<16xf32>
        %get3A_90 = arith.index_cast %scan3A_59 : i32 to index
        %get3A_91 = arith.constant 32 : index
        %get3A_92 = tpu.vector_load %arg7[%get3A_90, %get3A_91] {strides = array<i32>} : memref<80x256xf32, #tpu.memory_space<vmem>>, vector<1x16xf32>,
        %get3A_93 = vector.shape_cast %get3A_92 : vector<1x16xf32> to vector<16xf32>
        %add3A_94 = arith.addf %get3A_89, %get3A_93 : vector<16xf32>
        %swap3A_95 = arith.index_cast %scan3A_59 : i32 to index
        %swap3A_96 = arith.constant 32 : index
        %swap3A_97 = tpu.vector_load %arg9[%swap3A_95, %swap3A_96] {strides = array<i32>} : memref<80x256xf32, #tpu.memory_space<vmem>>, vector<1x16xf32>,
        %swap3A_98 = vector.shape_cast %swap3A_97 : vector<1x16xf32> to vector<16xf32>
        %swap3A_99 = vector.shape_cast %add3A_94 : vector<16xf32> to vector<1x16xf32>
        tpu.vector_store %arg9[%swap3A_95, %swap3A_96], %swap3A_99 {strides = array<i32>} : memref<80x256xf32, #tpu.memory_space<vmem>>, vector<1x16xf32>,
        %get3A_100 = arith.index_cast %scan3A_59 : i32 to index
        %get3A_101 = arith.constant 48 : index
        %get3A_102 = tpu.vector_load %arg9[%get3A_100, %get3A_101] {strides = array<i32>} : memref<80x256xf32, #tpu.memory_space<vmem>>, vector<1x16xf32>,
        %get3A_103 = vector.shape_cast %get3A_102 : vector<1x16xf32> to vector<16xf32>
        %get3A_104 = arith.index_cast %scan3A_59 : i32 to index
        %get3A_105 = arith.constant 48 : index
        %get3A_106 = tpu.vector_load %arg7[%get3A_104, %get3A_105] {strides = array<i32>} : memref<80x256xf32, #tpu.memory_space<vmem>>, vector<1x16xf32>,
        %get3A_107 = vector.shape_cast %get3A_106 : vector<1x16xf32> to vector<16xf32>
        %add3A_108 = arith.addf %get3A_103, %get3A_107 : vector<16xf32>
        %swap3A_109 = arith.index_cast %scan3A_59 : i32 to index
        %swap3A_110 = arith.constant 48 : index
        %swap3A_111 = tpu.vector_load %arg9[%swap3A_109, %swap3A_110] {strides = array<i32>} : memref<80x256xf32, #tpu.memory_space<vmem>>, vector<1x16xf32>,
        %swap3A_112 = vector.shape_cast %swap3A_111 : vector<1x16xf32> to vector<16xf32>
        %swap3A_113 = vector.shape_cast %add3A_108 : vector<16xf32> to vector<1x16xf32>
        tpu.vector_store %arg9[%swap3A_109, %swap3A_110], %swap3A_113 {strides = array<i32>} : memref<80x256xf32, #tpu.memory_space<vmem>>, vector<1x16xf32>,
        %get3A_114 = arith.index_cast %scan3A_59 : i32 to index
        %get3A_115 = arith.constant 64 : index
        %get3A_116 = tpu.vector_load %arg9[%get3A_114, %get3A_115] {strides = array<i32>} : memref<80x256xf32, #tpu.memory_space<vmem>>, vector<1x16xf32>,
        %get3A_117 = vector.shape_cast %get3A_116 : vector<1x16xf32> to vector<16xf32>
        %get3A_118 = arith.index_cast %scan3A_59 : i32 to index
        %get3A_119 = arith.constant 64 : index
        %get3A_120 = tpu.vector_load %arg7[%get3A_118, %get3A_119] {strides = array<i32>} : memref<80x256xf32, #tpu.memory_space<vmem>>, vector<1x16xf32>,
        %get3A_121 = vector.shape_cast %get3A_120 : vector<1x16xf32> to vector<16xf32>
        %add3A_122 = arith.addf %get3A_117, %get3A_121 : vector<16xf32>
        %swap3A_123 = arith.index_cast %scan3A_59 : i32 to index
        %swap3A_124 = arith.constant 64 : index
        %swap3A_125 = tpu.vector_load %arg9[%swap3A_123, %swap3A_124] {strides = array<i32>} : memref<80x256xf32, #tpu.memory_space<vmem>>, vector<1x16xf32>,
        %swap3A_126 = vector.shape_cast %swap3A_125 : vector<1x16xf32> to vector<16xf32>
        %swap3A_127 = vector.shape_cast %add3A_122 : vector<16xf32> to vector<1x16xf32>
        tpu.vector_store %arg9[%swap3A_123, %swap3A_124], %swap3A_127 {strides = array<i32>} : memref<80x256xf32, #tpu.memory_space<vmem>>, vector<1x16xf32>,
        %get3A_128 = arith.index_cast %scan3A_59 : i32 to index
        %get3A_129 = arith.constant 80 : index
        %get3A_130 = tpu.vector_load %arg9[%get3A_128, %get3A_129] {strides = array<i32>} : memref<80x256xf32, #tpu.memory_space<vmem>>, vector<1x16xf32>,
        %get3A_131 = vector.shape_cast %get3A_130 : vector<1x16xf32> to vector<16xf32>
        %get3A_132 = arith.index_cast %scan3A_59 : i32 to index
        %get3A_133 = arith.constant 80 : index
        %get3A_134 = tpu.vector_load %arg7[%get3A_132, %get3A_133] {strides = array<i32>} : memref<80x256xf32, #tpu.memory_space<vmem>>, vector<1x16xf32>,
        %get3A_135 = vector.shape_cast %get3A_134 : vector<1x16xf32> to vector<16xf32>
        %add3A_136 = arith.addf %get3A_131, %get3A_135 : vector<16xf32>
        %swap3A_137 = arith.index_cast %scan3A_59 : i32 to index
        %swap3A_138 = arith.constant 80 : index
        %swap3A_139 = tpu.vector_load %arg9[%swap3A_137, %swap3A_138] {strides = array<i32>} : memref<80x256xf32, #tpu.memory_space<vmem>>, vector<1x16xf32>,
        %swap3A_140 = vector.shape_cast %swap3A_139 : vector<1x16xf32> to vector<16xf32>
        %swap3A_141 = vector.shape_cast %add3A_136 : vector<16xf32> to vector<1x16xf32>
        tpu.vector_store %arg9[%swap3A_137, %swap3A_138], %swap3A_141 {strides = array<i32>} : memref<80x256xf32, #tpu.memory_space<vmem>>, vector<1x16xf32>,
        %get3A_142 = arith.index_cast %scan3A_59 : i32 to index
        %get3A_143 = arith.constant 96 : index
        %get3A_144 = tpu.vector_load %arg9[%get3A_142, %get3A_143] {strides = array<i32>} : memref<80x256xf32, #tpu.memory_space<vmem>>, vector<1x16xf32>,
        %get3A_145 = vector.shape_cast %get3A_144 : vector<1x16xf32> to vector<16xf32>
        %get3A_146 = arith.index_cast %scan3A_59 : i32 to index
        %get3A_147 = arith.constant 96 : index
        %get3A_148 = tpu.vector_load %arg7[%get3A_146, %get3A_147] {strides = array<i32>} : memref<80x256xf32, #tpu.memory_space<vmem>>, vector<1x16xf32>,
        %get3A_149 = vector.shape_cast %get3A_148 : vector<1x16xf32> to vector<16xf32>
        %add3A_150 = arith.addf %get3A_145, %get3A_149 : vector<16xf32>
        %swap3A_151 = arith.index_cast %scan3A_59 : i32 to index
        %swap3A_152 = arith.constant 96 : index
        %swap3A_153 = tpu.vector_load %arg9[%swap3A_151, %swap3A_152] {strides = array<i32>} : memref<80x256xf32, #tpu.memory_space<vmem>>, vector<1x16xf32>,
        %swap3A_154 = vector.shape_cast %swap3A_153 : vector<1x16xf32> to vector<16xf32>
        %swap3A_155 = vector.shape_cast %add3A_150 : vector<16xf32> to vector<1x16xf32>
        tpu.vector_store %arg9[%swap3A_151, %swap3A_152], %swap3A_155 {strides = array<i32>} : memref<80x256xf32, #tpu.memory_space<vmem>>, vector<1x16xf32>,
        %get3A_156 = arith.index_cast %scan3A_59 : i32 to index
        %get3A_157 = arith.constant 112 : index
        %get3A_158 = tpu.vector_load %arg9[%get3A_156, %get3A_157] {strides = array<i32>} : memref<80x256xf32, #tpu.memory_space<vmem>>, vector<1x16xf32>,
        %get3A_159 = vector.shape_cast %get3A_158 : vector<1x16xf32> to vector<16xf32>
        %get3A_160 = arith.index_cast %scan3A_59 : i32 to index
        %get3A_161 = arith.constant 112 : index
        %get3A_162 = tpu.vector_load %arg7[%get3A_160, %get3A_161] {strides = array<i32>} : memref<80x256xf32, #tpu.memory_space<vmem>>, vector<1x16xf32>,
        %get3A_163 = vector.shape_cast %get3A_162 : vector<1x16xf32> to vector<16xf32>
        %add3A_164 = arith.addf %get3A_159, %get3A_163 : vector<16xf32>
        %swap3A_165 = arith.index_cast %scan3A_59 : i32 to index
        %swap3A_166 = arith.constant 112 : index
        %swap3A_167 = tpu.vector_load %arg9[%swap3A_165, %swap3A_166] {strides = array<i32>} : memref<80x256xf32, #tpu.memory_space<vmem>>, vector<1x16xf32>,
        %swap3A_168 = vector.shape_cast %swap3A_167 : vector<1x16xf32> to vector<16xf32>
        %swap3A_169 = vector.shape_cast %add3A_164 : vector<16xf32> to vector<1x16xf32>
        tpu.vector_store %arg9[%swap3A_165, %swap3A_166], %swap3A_169 {strides = array<i32>} : memref<80x256xf32, #tpu.memory_space<vmem>>, vector<1x16xf32>,
        %get3A_170 = arith.index_cast %scan3A_59 : i32 to index
        %get3A_171 = arith.constant 128 : index
        %get3A_172 = tpu.vector_load %arg9[%get3A_170, %get3A_171] {strides = array<i32>} : memref<80x256xf32, #tpu.memory_space<vmem>>, vector<1x16xf32>,
        %get3A_173 = vector.shape_cast %get3A_172 : vector<1x16xf32> to vector<16xf32>
        %get3A_174 = arith.index_cast %scan3A_59 : i32 to index
        %get3A_175 = arith.constant 128 : index
        %get3A_176 = tpu.vector_load %arg7[%get3A_174, %get3A_175] {strides = array<i32>} : memref<80x256xf32, #tpu.memory_space<vmem>>, vector<1x16xf32>,
        %get3A_177 = vector.shape_cast %get3A_176 : vector<1x16xf32> to vector<16xf32>
        %add3A_178 = arith.addf %get3A_173, %get3A_177 : vector<16xf32>
        %swap3A_179 = arith.index_cast %scan3A_59 : i32 to index
        %swap3A_180 = arith.constant 128 : index
        %swap3A_181 = tpu.vector_load %arg9[%swap3A_179, %swap3A_180] {strides = array<i32>} : memref<80x256xf32, #tpu.memory_space<vmem>>, vector<1x16xf32>,
        %swap3A_182 = vector.shape_cast %swap3A_181 : vector<1x16xf32> to vector<16xf32>
        %swap3A_183 = vector.shape_cast %add3A_178 : vector<16xf32> to vector<1x16xf32>
        tpu.vector_store %arg9[%swap3A_179, %swap3A_180], %swap3A_183 {strides = array<i32>} : memref<80x256xf32, #tpu.memory_space<vmem>>, vector<1x16xf32>,
        %get3A_184 = arith.index_cast %scan3A_59 : i32 to index
        %get3A_185 = arith.constant 144 : index
        %get3A_186 = tpu.vector_load %arg9[%get3A_184, %get3A_185] {strides = array<i32>} : memref<80x256xf32, #tpu.memory_space<vmem>>, vector<1x16xf32>,
        %get3A_187 = vector.shape_cast %get3A_186 : vector<1x16xf32> to vector<16xf32>
        %get3A_188 = arith.index_cast %scan3A_59 : i32 to index
        %get3A_189 = arith.constant 144 : index
        %get3A_190 = tpu.vector_load %arg7[%get3A_188, %get3A_189] {strides = array<i32>} : memref<80x256xf32, #tpu.memory_space<vmem>>, vector<1x16xf32>,
        %get3A_191 = vector.shape_cast %get3A_190 : vector<1x16xf32> to vector<16xf32>
        %add3A_192 = arith.addf %get3A_187, %get3A_191 : vector<16xf32>
        %swap3A_193 = arith.index_cast %scan3A_59 : i32 to index
        %swap3A_194 = arith.constant 144 : index
        %swap3A_195 = tpu.vector_load %arg9[%swap3A_193, %swap3A_194] {strides = array<i32>} : memref<80x256xf32, #tpu.memory_space<vmem>>, vector<1x16xf32>,
        %swap3A_196 = vector.shape_cast %swap3A_195 : vector<1x16xf32> to vector<16xf32>
        %swap3A_197 = vector.shape_cast %add3A_192 : vector<16xf32> to vector<1x16xf32>
        tpu.vector_store %arg9[%swap3A_193, %swap3A_194], %swap3A_197 {strides = array<i32>} : memref<80x256xf32, #tpu.memory_space<vmem>>, vector<1x16xf32>,
        %get3A_198 = arith.index_cast %scan3A_59 : i32 to index
        %get3A_199 = arith.constant 160 : index
        %get3A_200 = tpu.vector_load %arg9[%get3A_198, %get3A_199] {strides = array<i32>} : memref<80x256xf32, #tpu.memory_space<vmem>>, vector<1x16xf32>,
        %get3A_201 = vector.shape_cast %get3A_200 : vector<1x16xf32> to vector<16xf32>
        %get3A_202 = arith.index_cast %scan3A_59 : i32 to index
        %get3A_203 = arith.constant 160 : index
        %get3A_204 = tpu.vector_load %arg7[%get3A_202, %get3A_203] {strides = array<i32>} : memref<80x256xf32, #tpu.memory_space<vmem>>, vector<1x16xf32>,
        %get3A_205 = vector.shape_cast %get3A_204 : vector<1x16xf32> to vector<16xf32>
        %add3A_206 = arith.addf %get3A_201, %get3A_205 : vector<16xf32>
        %swap3A_207 = arith.index_cast %scan3A_59 : i32 to index
        %swap3A_208 = arith.constant 160 : index
        %swap3A_209 = tpu.vector_load %arg9[%swap3A_207, %swap3A_208] {strides = array<i32>} : memref<80x256xf32, #tpu.memory_space<vmem>>, vector<1x16xf32>,
        %swap3A_210 = vector.shape_cast %swap3A_209 : vector<1x16xf32> to vector<16xf32>
        %swap3A_211 = vector.shape_cast %add3A_206 : vector<16xf32> to vector<1x16xf32>
        tpu.vector_store %arg9[%swap3A_207, %swap3A_208], %swap3A_211 {strides = array<i32>} : memref<80x256xf32, #tpu.memory_space<vmem>>, vector<1x16xf32>,
        %get3A_212 = arith.index_cast %scan3A_59 : i32 to index
        %get3A_213 = arith.constant 176 : index
        %get3A_214 = tpu.vector_load %arg9[%get3A_212, %get3A_213] {strides = array<i32>} : memref<80x256xf32, #tpu.memory_space<vmem>>, vector<1x16xf32>,
        %get3A_215 = vector.shape_cast %get3A_214 : vector<1x16xf32> to vector<16xf32>
        %get3A_216 = arith.index_cast %scan3A_59 : i32 to index
        %get3A_217 = arith.constant 176 : index
        %get3A_218 = tpu.vector_load %arg7[%get3A_216, %get3A_217] {strides = array<i32>} : memref<80x256xf32, #tpu.memory_space<vmem>>, vector<1x16xf32>,
        %get3A_219 = vector.shape_cast %get3A_218 : vector<1x16xf32> to vector<16xf32>
        %add3A_220 = arith.addf %get3A_215, %get3A_219 : vector<16xf32>
        %swap3A_221 = arith.index_cast %scan3A_59 : i32 to index
        %swap3A_222 = arith.constant 176 : index
        %swap3A_223 = tpu.vector_load %arg9[%swap3A_221, %swap3A_222] {strides = array<i32>} : memref<80x256xf32, #tpu.memory_space<vmem>>, vector<1x16xf32>,
        %swap3A_224 = vector.shape_cast %swap3A_223 : vector<1x16xf32> to vector<16xf32>
        %swap3A_225 = vector.shape_cast %add3A_220 : vector<16xf32> to vector<1x16xf32>
        tpu.vector_store %arg9[%swap3A_221, %swap3A_222], %swap3A_225 {strides = array<i32>} : memref<80x256xf32, #tpu.memory_space<vmem>>, vector<1x16xf32>,
        %get3A_226 = arith.index_cast %scan3A_59 : i32 to index
        %get3A_227 = arith.constant 192 : index
        %get3A_228 = tpu.vector_load %arg9[%get3A_226, %get3A_227] {strides = array<i32>} : memref<80x256xf32, #tpu.memory_space<vmem>>, vector<1x16xf32>,
        %get3A_229 = vector.shape_cast %get3A_228 : vector<1x16xf32> to vector<16xf32>
        %get3A_230 = arith.index_cast %scan3A_59 : i32 to index
        %get3A_231 = arith.constant 192 : index
        %get3A_232 = tpu.vector_load %arg7[%get3A_230, %get3A_231] {strides = array<i32>} : memref<80x256xf32, #tpu.memory_space<vmem>>, vector<1x16xf32>,
        %get3A_233 = vector.shape_cast %get3A_232 : vector<1x16xf32> to vector<16xf32>
        %add3A_234 = arith.addf %get3A_229, %get3A_233 : vector<16xf32>
        %swap3A_235 = arith.index_cast %scan3A_59 : i32 to index
        %swap3A_236 = arith.constant 192 : index
        %swap3A_237 = tpu.vector_load %arg9[%swap3A_235, %swap3A_236] {strides = array<i32>} : memref<80x256xf32, #tpu.memory_space<vmem>>, vector<1x16xf32>,
        %swap3A_238 = vector.shape_cast %swap3A_237 : vector<1x16xf32> to vector<16xf32>
        %swap3A_239 = vector.shape_cast %add3A_234 : vector<16xf32> to vector<1x16xf32>
        tpu.vector_store %arg9[%swap3A_235, %swap3A_236], %swap3A_239 {strides = array<i32>} : memref<80x256xf32, #tpu.memory_space<vmem>>, vector<1x16xf32>,
        %get3A_240 = arith.index_cast %scan3A_59 : i32 to index
        %get3A_241 = arith.constant 208 : index
        %get3A_242 = tpu.vector_load %arg9[%get3A_240, %get3A_241] {strides = array<i32>} : memref<80x256xf32, #tpu.memory_space<vmem>>, vector<1x16xf32>,
        %get3A_243 = vector.shape_cast %get3A_242 : vector<1x16xf32> to vector<16xf32>
        %get3A_244 = arith.index_cast %scan3A_59 : i32 to index
        %get3A_245 = arith.constant 208 : index
        %get3A_246 = tpu.vector_load %arg7[%get3A_244, %get3A_245] {strides = array<i32>} : memref<80x256xf32, #tpu.memory_space<vmem>>, vector<1x16xf32>,
        %get3A_247 = vector.shape_cast %get3A_246 : vector<1x16xf32> to vector<16xf32>
        %add3A_248 = arith.addf %get3A_243, %get3A_247 : vector<16xf32>
        %swap3A_249 = arith.index_cast %scan3A_59 : i32 to index
        %swap3A_250 = arith.constant 208 : index
        %swap3A_251 = tpu.vector_load %arg9[%swap3A_249, %swap3A_250] {strides = array<i32>} : memref<80x256xf32, #tpu.memory_space<vmem>>, vector<1x16xf32>,
        %swap3A_252 = vector.shape_cast %swap3A_251 : vector<1x16xf32> to vector<16xf32>
        %swap3A_253 = vector.shape_cast %add3A_248 : vector<16xf32> to vector<1x16xf32>
        tpu.vector_store %arg9[%swap3A_249, %swap3A_250], %swap3A_253 {strides = array<i32>} : memref<80x256xf32, #tpu.memory_space<vmem>>, vector<1x16xf32>,
        %get3A_254 = arith.index_cast %scan3A_59 : i32 to index
        %get3A_255 = arith.constant 224 : index
        %get3A_256 = tpu.vector_load %arg9[%get3A_254, %get3A_255] {strides = array<i32>} : memref<80x256xf32, #tpu.memory_space<vmem>>, vector<1x16xf32>,
        %get3A_257 = vector.shape_cast %get3A_256 : vector<1x16xf32> to vector<16xf32>
        %get3A_258 = arith.index_cast %scan3A_59 : i32 to index
        %get3A_259 = arith.constant 224 : index
        %get3A_260 = tpu.vector_load %arg7[%get3A_258, %get3A_259] {strides = array<i32>} : memref<80x256xf32, #tpu.memory_space<vmem>>, vector<1x16xf32>,
        %get3A_261 = vector.shape_cast %get3A_260 : vector<1x16xf32> to vector<16xf32>
        %add3A_262 = arith.addf %get3A_257, %get3A_261 : vector<16xf32>
        %swap3A_263 = arith.index_cast %scan3A_59 : i32 to index
        %swap3A_264 = arith.constant 224 : index
        %swap3A_265 = tpu.vector_load %arg9[%swap3A_263, %swap3A_264] {strides = array<i32>} : memref<80x256xf32, #tpu.memory_space<vmem>>, vector<1x16xf32>,
        %swap3A_266 = vector.shape_cast %swap3A_265 : vector<1x16xf32> to vector<16xf32>
        %swap3A_267 = vector.shape_cast %add3A_262 : vector<16xf32> to vector<1x16xf32>
        tpu.vector_store %arg9[%swap3A_263, %swap3A_264], %swap3A_267 {strides = array<i32>} : memref<80x256xf32, #tpu.memory_space<vmem>>, vector<1x16xf32>,
        %get3A_268 = arith.index_cast %scan3A_59 : i32 to index
        %get3A_269 = arith.constant 240 : index
        %get3A_270 = tpu.vector_load %arg9[%get3A_268, %get3A_269] {strides = array<i32>} : memref<80x256xf32, #tpu.memory_space<vmem>>, vector<1x16xf32>,
        %get3A_271 = vector.shape_cast %get3A_270 : vector<1x16xf32> to vector<16xf32>
        %get3A_272 = arith.index_cast %scan3A_59 : i32 to index
        %get3A_273 = arith.constant 240 : index
        %get3A_274 = tpu.vector_load %arg7[%get3A_272, %get3A_273] {strides = array<i32>} : memref<80x256xf32, #tpu.memory_space<vmem>>, vector<1x16xf32>,
        %get3A_275 = vector.shape_cast %get3A_274 : vector<1x16xf32> to vector<16xf32>
        %add3A_276 = arith.addf %get3A_271, %get3A_275 : vector<16xf32>
        %swap3A_277 = arith.index_cast %scan3A_59 : i32 to index
        %swap3A_278 = arith.constant 240 : index
        %swap3A_279 = tpu.vector_load %arg9[%swap3A_277, %swap3A_278] {strides = array<i32>} : memref<80x256xf32, #tpu.memory_space<vmem>>, vector<1x16xf32>,
        %swap3A_280 = vector.shape_cast %swap3A_279 : vector<1x16xf32> to vector<16xf32>
        %swap3A_281 = vector.shape_cast %add3A_276 : vector<16xf32> to vector<1x16xf32>
        tpu.vector_store %arg9[%swap3A_277, %swap3A_278], %swap3A_281 {strides = array<i32>} : memref<80x256xf32, #tpu.memory_space<vmem>>, vector<1x16xf32>,
      }
      %scan3A_56 = arith.constant 80 : i32
      %mul3A_57 = arith.constant 80 : i32
      %mul3A_58 = arith.muli %scan3A_30, %mul3A_57 : i32
      "tpu.region"() ({
        %run_scoped3A = tpu.sem_alloc : memref<!tpu.dma_semaphore, #tpu.memory_space<semaphore_mem>>
        %dma_start3A_59 = tpu.memref_slice %arg6[%mul3A_58] : memref<10000xi32, #tpu.memory_space<vmem>> -> memref<80xi32, #tpu.memory_space<vmem>>
        %dma_start3A_60 = arith.constant 0 : i32
        %dma_start3A_61 = arith.constant 0 : i32
        %dma_start3A_62 = tpu.memref_slice %arg5[%dma_start3A_60, %dma_start3A_61] : memref<368640x256xf32, #tpu.memory_space<hbm>> -> memref<368640x256xf32, #tpu.memory_space<hbm>>
        tpu.enqueue_indirect_dma source(%arg9 : memref<80x256xf32, #tpu.memory_space<vmem>>) target(%dma_start3A_62 : memref<368640x256xf32, #tpu.memory_space<hbm>>) offsets(%dma_start3A_59 : memref<80xi32, #tpu.memory_space<vmem>>) semaphore(%run_scoped3A : memref<!tpu.dma_semaphore, #tpu.memory_space<semaphore_mem>>)
        %dma_wait3A_63 = tpu.memref_slice %arg6[%mul3A_58] : memref<10000xi32, #tpu.memory_space<vmem>> -> memref<80xi32, #tpu.memory_space<vmem>>
        %dma_wait3A_64 = arith.constant 0 : i32
        %dma_wait3A_65 = arith.constant 0 : i32
        %dma_wait3A_66 = tpu.memref_slice %arg5[%dma_wait3A_64, %dma_wait3A_65] : memref<368640x256xf32, #tpu.memory_space<hbm>> -> memref<368640x256xf32, #tpu.memory_space<hbm>>
        tpu.wait_indirect_dma semaphore(%run_scoped3A : memref<!tpu.dma_semaphore, #tpu.memory_space<semaphore_mem>>) src(%arg9 : memref<80x256xf32, #tpu.memory_space<vmem>>) dst(%dma_wait3A_66 : memref<368640x256xf32, #tpu.memory_space<hbm>>)
        tpu.yield
      }) : () -> ()
    }
    %scan3A_29 = arith.constant 125 : i32
    return
  }
}

#map = affine_map<(d0, d1) -> (0)>
#map1 = affine_map<(d0, d1) -> (0, 0)>
module attributes {stable_mosaic.version = 14 : i64} {
  func.func @_sc1_body(%arg0: i32, %arg1: i32, %arg2: memref<320000xi32, #tpu.memory_space<hbm>>, %arg3: memref<320000xi32, #tpu.memory_space<hbm>>, %arg4: memref<10000x128xf32, #tpu.memory_space<hbm>>, %arg5: memref<10000x256xf32, #tpu.memory_space<hbm>>, %arg6: memref<320000x128xf32, #tpu.memory_space<hbm>>, %arg7: memref<320000x256xf32, #tpu.memory_space<hbm>>, %arg8: memref<10000xi32, #tpu.memory_space<vmem>>, %arg9: memref<10000xi32, #tpu.memory_space<vmem>>, %arg10: memref<128x128xf32, #tpu.memory_space<vmem>>, %arg11: memref<128x256xf32, #tpu.memory_space<vmem>>, %arg12: memref<!tpu.dma_semaphore, #tpu.memory_space<semaphore_mem>>, %arg13: memref<!tpu.dma_semaphore, #tpu.memory_space<semaphore_mem>>, %arg14: memref<!tpu.dma_semaphore, #tpu.memory_space<semaphore_mem>>) attributes {dimension_semantics = [#tpu.dimension_semantics<core_parallel>, #tpu.dimension_semantics<subcore_parallel>], iteration_bounds = array<i64: 2, 16>, scalar_prefetch = 0 : i64, scratch_operands = 7 : i64, tpu.core_type = #tpu.core_type<sc_vector_subcore>, window_params = [{transform_indices = #map}, {transform_indices = #map}, {transform_indices = #map1}, {transform_indices = #map1}, {transform_indices = #map1}, {transform_indices = #map1}]} {
    %mul3A = arith.constant 2 : i32
    %mul3A_0 = arith.muli %arg1, %mul3A : i32
    %add3A = arith.addi %mul3A_0, %arg0 : i32
    %mul3A_1 = arith.constant 10000 : i32
    %mul3A_2 = arith.muli %add3A, %mul3A_1 : i32
    %multiple_of3A = tpu.assume_multiple %mul3A_2, 8 : i32
    "tpu.region"() ({
      %run_scoped3A = tpu.sem_alloc : memref<!tpu.dma_semaphore, #tpu.memory_space<semaphore_mem>>
      %dma_start3A_41 = tpu.memref_slice %arg2[%multiple_of3A] : memref<320000xi32, #tpu.memory_space<hbm>> -> memref<10000xi32, #tpu.memory_space<hbm>>
      %dma_start3A_42 = tpu.memref_slice %arg2[%multiple_of3A] : memref<320000xi32, #tpu.memory_space<hbm>> -> memref<10000xi32, #tpu.memory_space<hbm>>
      tpu.enqueue_dma source(%dma_start3A_42 : memref<10000xi32, #tpu.memory_space<hbm>>) target(%arg8 : memref<10000xi32, #tpu.memory_space<vmem>>) target_semaphore(%run_scoped3A : memref<!tpu.dma_semaphore, #tpu.memory_space<semaphore_mem>>)
      %dma_wait3A_43 = tpu.memref_slice %arg2[%multiple_of3A] : memref<320000xi32, #tpu.memory_space<hbm>> -> memref<10000xi32, #tpu.memory_space<hbm>>
      %dma_wait3A_44 = tpu.memref_slice %arg2[%multiple_of3A] : memref<320000xi32, #tpu.memory_space<hbm>> -> memref<10000xi32, #tpu.memory_space<hbm>>
      tpu.wait_dma2 semaphore(%run_scoped3A : memref<!tpu.dma_semaphore, #tpu.memory_space<semaphore_mem>>) src(%dma_wait3A_44 : memref<10000xi32, #tpu.memory_space<hbm>>) dst(%arg8 : memref<10000xi32, #tpu.memory_space<vmem>>)
      tpu.yield
    }) : () -> ()
    "tpu.region"() ({
      %run_scoped3A = tpu.sem_alloc : memref<!tpu.dma_semaphore, #tpu.memory_space<semaphore_mem>>
      %dma_start3A_41 = tpu.memref_slice %arg3[%multiple_of3A] : memref<320000xi32, #tpu.memory_space<hbm>> -> memref<10000xi32, #tpu.memory_space<hbm>>
      %dma_start3A_42 = tpu.memref_slice %arg3[%multiple_of3A] : memref<320000xi32, #tpu.memory_space<hbm>> -> memref<10000xi32, #tpu.memory_space<hbm>>
      tpu.enqueue_dma source(%dma_start3A_42 : memref<10000xi32, #tpu.memory_space<hbm>>) target(%arg9 : memref<10000xi32, #tpu.memory_space<vmem>>) target_semaphore(%run_scoped3A : memref<!tpu.dma_semaphore, #tpu.memory_space<semaphore_mem>>)
      %dma_wait3A_43 = tpu.memref_slice %arg3[%multiple_of3A] : memref<320000xi32, #tpu.memory_space<hbm>> -> memref<10000xi32, #tpu.memory_space<hbm>>
      %dma_wait3A_44 = tpu.memref_slice %arg3[%multiple_of3A] : memref<320000xi32, #tpu.memory_space<hbm>> -> memref<10000xi32, #tpu.memory_space<hbm>>
      tpu.wait_dma2 semaphore(%run_scoped3A : memref<!tpu.dma_semaphore, #tpu.memory_space<semaphore_mem>>) src(%dma_wait3A_44 : memref<10000xi32, #tpu.memory_space<hbm>>) dst(%arg9 : memref<10000xi32, #tpu.memory_space<vmem>>)
      tpu.yield
    }) : () -> ()
    %scan3A = arith.constant 0 : i32
    %scan3A_3 = arith.constant 0 : i32
    %scan3A_4 = arith.constant 78 : i32
    %scan3A_5 = arith.addi %scan3A_3, %scan3A_4 : i32
    %scan3A_6 = arith.constant 1 : i32
    scf.for %scan3A_41 = %scan3A_3 to %scan3A_5 step %scan3A_6  : i32 {
      %mul3A_42 = arith.constant 128 : i32
      %mul3A_43 = arith.muli %scan3A_41, %mul3A_42 : i32
      %add3A_44 = arith.addi %multiple_of3A, %mul3A_43 : i32
      %multiple_of3A_45 = tpu.assume_multiple %add3A_44, 8 : i32
      %mul3A_46 = arith.constant 128 : i32
      %mul3A_47 = arith.muli %scan3A_41, %mul3A_46 : i32
      %dma_start3A_48 = tpu.memref_slice %arg8[%mul3A_47] : memref<10000xi32, #tpu.memory_space<vmem>> -> memref<128xi32, #tpu.memory_space<vmem>>
      %dma_start3A_49 = arith.constant 0 : i32
      %dma_start3A_50 = arith.constant 0 : i32
      %dma_start3A_51 = tpu.memref_slice %arg4[%dma_start3A_49, %dma_start3A_50] : memref<10000x128xf32, #tpu.memory_space<hbm>> -> memref<10000x128xf32, #tpu.memory_space<hbm>>
      tpu.enqueue_indirect_dma source(%dma_start3A_51 : memref<10000x128xf32, #tpu.memory_space<hbm>>) target(%arg10 : memref<128x128xf32, #tpu.memory_space<vmem>>) offsets(%dma_start3A_48 : memref<128xi32, #tpu.memory_space<vmem>>) semaphore(%arg12 : memref<!tpu.dma_semaphore, #tpu.memory_space<semaphore_mem>>)
      %mul3A_52 = arith.constant 128 : i32
      %mul3A_53 = arith.muli %scan3A_41, %mul3A_52 : i32
      %dma_start3A_54 = tpu.memref_slice %arg9[%mul3A_53] : memref<10000xi32, #tpu.memory_space<vmem>> -> memref<128xi32, #tpu.memory_space<vmem>>
      %dma_start3A_55 = arith.constant 0 : i32
      %dma_start3A_56 = arith.constant 0 : i32
      %dma_start3A_57 = tpu.memref_slice %arg5[%dma_start3A_55, %dma_start3A_56] : memref<10000x256xf32, #tpu.memory_space<hbm>> -> memref<10000x256xf32, #tpu.memory_space<hbm>>
      tpu.enqueue_indirect_dma source(%dma_start3A_57 : memref<10000x256xf32, #tpu.memory_space<hbm>>) target(%arg11 : memref<128x256xf32, #tpu.memory_space<vmem>>) offsets(%dma_start3A_54 : memref<128xi32, #tpu.memory_space<vmem>>) semaphore(%arg13 : memref<!tpu.dma_semaphore, #tpu.memory_space<semaphore_mem>>)
      %dma_wait3A_58 = tpu.memref_slice %arg8[%mul3A_47] : memref<10000xi32, #tpu.memory_space<vmem>> -> memref<128xi32, #tpu.memory_space<vmem>>
      %dma_wait3A_59 = arith.constant 0 : i32
      %dma_wait3A_60 = arith.constant 0 : i32
      %dma_wait3A_61 = tpu.memref_slice %arg4[%dma_wait3A_59, %dma_wait3A_60] : memref<10000x128xf32, #tpu.memory_space<hbm>> -> memref<10000x128xf32, #tpu.memory_space<hbm>>
      tpu.wait_indirect_dma semaphore(%arg12 : memref<!tpu.dma_semaphore, #tpu.memory_space<semaphore_mem>>) src(%dma_wait3A_61 : memref<10000x128xf32, #tpu.memory_space<hbm>>) dst(%arg10 : memref<128x128xf32, #tpu.memory_space<vmem>>)
      %dma_start3A_62 = arith.constant 0 : i32
      %dma_start3A_63 = tpu.memref_slice %arg6[%multiple_of3A_45, %dma_start3A_62] : memref<320000x128xf32, #tpu.memory_space<hbm>> -> memref<128x128xf32, #tpu.memory_space<hbm>>
      %dma_start3A_64 = arith.constant 0 : i32
      %dma_start3A_65 = tpu.memref_slice %arg6[%multiple_of3A_45, %dma_start3A_64] : memref<320000x128xf32, #tpu.memory_space<hbm>> -> memref<128x128xf32, #tpu.memory_space<hbm>>
      tpu.enqueue_dma source(%arg10 : memref<128x128xf32, #tpu.memory_space<vmem>>) target(%dma_start3A_65 : memref<128x128xf32, #tpu.memory_space<hbm>>) target_semaphore(%arg14 : memref<!tpu.dma_semaphore, #tpu.memory_space<semaphore_mem>>)
      %dma_wait3A_66 = tpu.memref_slice %arg9[%mul3A_53] : memref<10000xi32, #tpu.memory_space<vmem>> -> memref<128xi32, #tpu.memory_space<vmem>>
      %dma_wait3A_67 = arith.constant 0 : i32
      %dma_wait3A_68 = arith.constant 0 : i32
      %dma_wait3A_69 = tpu.memref_slice %arg5[%dma_wait3A_67, %dma_wait3A_68] : memref<10000x256xf32, #tpu.memory_space<hbm>> -> memref<10000x256xf32, #tpu.memory_space<hbm>>
      tpu.wait_indirect_dma semaphore(%arg13 : memref<!tpu.dma_semaphore, #tpu.memory_space<semaphore_mem>>) src(%dma_wait3A_69 : memref<10000x256xf32, #tpu.memory_space<hbm>>) dst(%arg11 : memref<128x256xf32, #tpu.memory_space<vmem>>)
      "tpu.region"() ({
        %run_scoped3A = tpu.sem_alloc : memref<!tpu.dma_semaphore, #tpu.memory_space<semaphore_mem>>
        %dma_start3A_74 = arith.constant 0 : i32
        %dma_start3A_75 = tpu.memref_slice %arg7[%multiple_of3A_45, %dma_start3A_74] : memref<320000x256xf32, #tpu.memory_space<hbm>> -> memref<128x256xf32, #tpu.memory_space<hbm>>
        %dma_start3A_76 = arith.constant 0 : i32
        %dma_start3A_77 = tpu.memref_slice %arg7[%multiple_of3A_45, %dma_start3A_76] : memref<320000x256xf32, #tpu.memory_space<hbm>> -> memref<128x256xf32, #tpu.memory_space<hbm>>
        tpu.enqueue_dma source(%arg11 : memref<128x256xf32, #tpu.memory_space<vmem>>) target(%dma_start3A_77 : memref<128x256xf32, #tpu.memory_space<hbm>>) target_semaphore(%run_scoped3A : memref<!tpu.dma_semaphore, #tpu.memory_space<semaphore_mem>>)
        %dma_wait3A_78 = arith.constant 0 : i32
        %dma_wait3A_79 = tpu.memref_slice %arg7[%multiple_of3A_45, %dma_wait3A_78] : memref<320000x256xf32, #tpu.memory_space<hbm>> -> memref<128x256xf32, #tpu.memory_space<hbm>>
        %dma_wait3A_80 = arith.constant 0 : i32
        %dma_wait3A_81 = tpu.memref_slice %arg7[%multiple_of3A_45, %dma_wait3A_80] : memref<320000x256xf32, #tpu.memory_space<hbm>> -> memref<128x256xf32, #tpu.memory_space<hbm>>
        tpu.wait_dma2 semaphore(%run_scoped3A : memref<!tpu.dma_semaphore, #tpu.memory_space<semaphore_mem>>) src(%arg11 : memref<128x256xf32, #tpu.memory_space<vmem>>) dst(%dma_wait3A_81 : memref<128x256xf32, #tpu.memory_space<hbm>>)
        tpu.yield
      }) : () -> ()
      %dma_wait3A_70 = arith.constant 0 : i32
      %dma_wait3A_71 = tpu.memref_slice %arg6[%multiple_of3A_45, %dma_wait3A_70] : memref<320000x128xf32, #tpu.memory_space<hbm>> -> memref<128x128xf32, #tpu.memory_space<hbm>>
      %dma_wait3A_72 = arith.constant 0 : i32
      %dma_wait3A_73 = tpu.memref_slice %arg6[%multiple_of3A_45, %dma_wait3A_72] : memref<320000x128xf32, #tpu.memory_space<hbm>> -> memref<128x128xf32, #tpu.memory_space<hbm>>
      tpu.wait_dma2 semaphore(%arg14 : memref<!tpu.dma_semaphore, #tpu.memory_space<semaphore_mem>>) src(%arg10 : memref<128x128xf32, #tpu.memory_space<vmem>>) dst(%dma_wait3A_73 : memref<128x128xf32, #tpu.memory_space<hbm>>)
    }
    %scan3A_7 = arith.constant 78 : i32
    %add3A_8 = arith.constant 9984 : i32
    %add3A_9 = arith.addi %multiple_of3A, %add3A_8 : i32
    %multiple_of3A_10 = tpu.assume_multiple %add3A_9, 8 : i32
    %dma_start3A = arith.constant 0 : i32
    %dma_start3A_11 = arith.constant 0 : i32
    %dma_start3A_12 = tpu.memref_slice %arg10[%dma_start3A, %dma_start3A_11] : memref<128x128xf32, #tpu.memory_space<vmem>> -> memref<16x128xf32, #tpu.memory_space<vmem>>
    %dma_start3A_13 = arith.constant 9984 : i32
    %dma_start3A_14 = tpu.memref_slice %arg8[%dma_start3A_13] : memref<10000xi32, #tpu.memory_space<vmem>> -> memref<16xi32, #tpu.memory_space<vmem>>
    %dma_start3A_15 = arith.constant 0 : i32
    %dma_start3A_16 = arith.constant 0 : i32
    %dma_start3A_17 = tpu.memref_slice %arg4[%dma_start3A_15, %dma_start3A_16] : memref<10000x128xf32, #tpu.memory_space<hbm>> -> memref<10000x128xf32, #tpu.memory_space<hbm>>
    tpu.enqueue_indirect_dma source(%dma_start3A_17 : memref<10000x128xf32, #tpu.memory_space<hbm>>) target(%dma_start3A_12 : memref<16x128xf32, #tpu.memory_space<vmem>>) offsets(%dma_start3A_14 : memref<16xi32, #tpu.memory_space<vmem>>) semaphore(%arg12 : memref<!tpu.dma_semaphore, #tpu.memory_space<semaphore_mem>>)
    %dma_start3A_18 = arith.constant 0 : i32
    %dma_start3A_19 = arith.constant 0 : i32
    %dma_start3A_20 = tpu.memref_slice %arg11[%dma_start3A_18, %dma_start3A_19] : memref<128x256xf32, #tpu.memory_space<vmem>> -> memref<16x256xf32, #tpu.memory_space<vmem>>
    %dma_start3A_21 = arith.constant 9984 : i32
    %dma_start3A_22 = tpu.memref_slice %arg9[%dma_start3A_21] : memref<10000xi32, #tpu.memory_space<vmem>> -> memref<16xi32, #tpu.memory_space<vmem>>
    %dma_start3A_23 = arith.constant 0 : i32
    %dma_start3A_24 = arith.constant 0 : i32
    %dma_start3A_25 = tpu.memref_slice %arg5[%dma_start3A_23, %dma_start3A_24] : memref<10000x256xf32, #tpu.memory_space<hbm>> -> memref<10000x256xf32, #tpu.memory_space<hbm>>
    tpu.enqueue_indirect_dma source(%dma_start3A_25 : memref<10000x256xf32, #tpu.memory_space<hbm>>) target(%dma_start3A_20 : memref<16x256xf32, #tpu.memory_space<vmem>>) offsets(%dma_start3A_22 : memref<16xi32, #tpu.memory_space<vmem>>) semaphore(%arg13 : memref<!tpu.dma_semaphore, #tpu.memory_space<semaphore_mem>>)
    %dma_wait3A = arith.constant 0 : i32
    %dma_wait3A_26 = arith.constant 0 : i32
    %dma_wait3A_27 = tpu.memref_slice %arg10[%dma_wait3A, %dma_wait3A_26] : memref<128x128xf32, #tpu.memory_space<vmem>> -> memref<16x128xf32, #tpu.memory_space<vmem>>
    %dma_wait3A_28 = arith.constant 9984 : i32
    %dma_wait3A_29 = tpu.memref_slice %arg8[%dma_wait3A_28] : memref<10000xi32, #tpu.memory_space<vmem>> -> memref<16xi32, #tpu.memory_space<vmem>>
    %dma_wait3A_30 = arith.constant 0 : i32
    %dma_wait3A_31 = arith.constant 0 : i32
    %dma_wait3A_32 = tpu.memref_slice %arg4[%dma_wait3A_30, %dma_wait3A_31] : memref<10000x128xf32, #tpu.memory_space<hbm>> -> memref<10000x128xf32, #tpu.memory_space<hbm>>
    tpu.wait_indirect_dma semaphore(%arg12 : memref<!tpu.dma_semaphore, #tpu.memory_space<semaphore_mem>>) src(%dma_wait3A_32 : memref<10000x128xf32, #tpu.memory_space<hbm>>) dst(%dma_wait3A_27 : memref<16x128xf32, #tpu.memory_space<vmem>>)
    %dma_wait3A_33 = arith.constant 0 : i32
    %dma_wait3A_34 = arith.constant 0 : i32
    %dma_wait3A_35 = tpu.memref_slice %arg11[%dma_wait3A_33, %dma_wait3A_34] : memref<128x256xf32, #tpu.memory_space<vmem>> -> memref<16x256xf32, #tpu.memory_space<vmem>>
    %dma_wait3A_36 = arith.constant 9984 : i32
    %dma_wait3A_37 = tpu.memref_slice %arg9[%dma_wait3A_36] : memref<10000xi32, #tpu.memory_space<vmem>> -> memref<16xi32, #tpu.memory_space<vmem>>
    %dma_wait3A_38 = arith.constant 0 : i32
    %dma_wait3A_39 = arith.constant 0 : i32
    %dma_wait3A_40 = tpu.memref_slice %arg5[%dma_wait3A_38, %dma_wait3A_39] : memref<10000x256xf32, #tpu.memory_space<hbm>> -> memref<10000x256xf32, #tpu.memory_space<hbm>>
    tpu.wait_indirect_dma semaphore(%arg13 : memref<!tpu.dma_semaphore, #tpu.memory_space<semaphore_mem>>) src(%dma_wait3A_40 : memref<10000x256xf32, #tpu.memory_space<hbm>>) dst(%dma_wait3A_35 : memref<16x256xf32, #tpu.memory_space<vmem>>)
    "tpu.region"() ({
      %run_scoped3A = tpu.sem_alloc : memref<!tpu.dma_semaphore, #tpu.memory_space<semaphore_mem>>
      %dma_start3A_41 = arith.constant 0 : i32
      %dma_start3A_42 = arith.constant 0 : i32
      %dma_start3A_43 = tpu.memref_slice %arg10[%dma_start3A_41, %dma_start3A_42] : memref<128x128xf32, #tpu.memory_space<vmem>> -> memref<16x128xf32, #tpu.memory_space<vmem>>
      %dma_start3A_44 = arith.constant 0 : i32
      %dma_start3A_45 = tpu.memref_slice %arg6[%multiple_of3A_10, %dma_start3A_44] : memref<320000x128xf32, #tpu.memory_space<hbm>> -> memref<16x128xf32, #tpu.memory_space<hbm>>
      %dma_start3A_46 = arith.constant 0 : i32
      %dma_start3A_47 = tpu.memref_slice %arg6[%multiple_of3A_10, %dma_start3A_46] : memref<320000x128xf32, #tpu.memory_space<hbm>> -> memref<16x128xf32, #tpu.memory_space<hbm>>
      %dma_start3A_48 = arith.constant 0 : i32
      %dma_start3A_49 = arith.constant 0 : i32
      %dma_start3A_50 = tpu.memref_slice %arg10[%dma_start3A_48, %dma_start3A_49] : memref<128x128xf32, #tpu.memory_space<vmem>> -> memref<16x128xf32, #tpu.memory_space<vmem>>
      tpu.enqueue_dma source(%dma_start3A_50 : memref<16x128xf32, #tpu.memory_space<vmem>>) target(%dma_start3A_47 : memref<16x128xf32, #tpu.memory_space<hbm>>) target_semaphore(%run_scoped3A : memref<!tpu.dma_semaphore, #tpu.memory_space<semaphore_mem>>)
      %dma_wait3A_51 = arith.constant 0 : i32
      %dma_wait3A_52 = arith.constant 0 : i32
      %dma_wait3A_53 = tpu.memref_slice %arg10[%dma_wait3A_51, %dma_wait3A_52] : memref<128x128xf32, #tpu.memory_space<vmem>> -> memref<16x128xf32, #tpu.memory_space<vmem>>
      %dma_wait3A_54 = arith.constant 0 : i32
      %dma_wait3A_55 = tpu.memref_slice %arg6[%multiple_of3A_10, %dma_wait3A_54] : memref<320000x128xf32, #tpu.memory_space<hbm>> -> memref<16x128xf32, #tpu.memory_space<hbm>>
      %dma_wait3A_56 = arith.constant 0 : i32
      %dma_wait3A_57 = tpu.memref_slice %arg6[%multiple_of3A_10, %dma_wait3A_56] : memref<320000x128xf32, #tpu.memory_space<hbm>> -> memref<16x128xf32, #tpu.memory_space<hbm>>
      %dma_wait3A_58 = arith.constant 0 : i32
      %dma_wait3A_59 = arith.constant 0 : i32
      %dma_wait3A_60 = tpu.memref_slice %arg10[%dma_wait3A_58, %dma_wait3A_59] : memref<128x128xf32, #tpu.memory_space<vmem>> -> memref<16x128xf32, #tpu.memory_space<vmem>>
      tpu.wait_dma2 semaphore(%run_scoped3A : memref<!tpu.dma_semaphore, #tpu.memory_space<semaphore_mem>>) src(%dma_wait3A_60 : memref<16x128xf32, #tpu.memory_space<vmem>>) dst(%dma_wait3A_57 : memref<16x128xf32, #tpu.memory_space<hbm>>)
      tpu.yield
    }) : () -> ()
    "tpu.region"() ({
      %run_scoped3A = tpu.sem_alloc : memref<!tpu.dma_semaphore, #tpu.memory_space<semaphore_mem>>
      %dma_start3A_41 = arith.constant 0 : i32
      %dma_start3A_42 = arith.constant 0 : i32
      %dma_start3A_43 = tpu.memref_slice %arg11[%dma_start3A_41, %dma_start3A_42] : memref<128x256xf32, #tpu.memory_space<vmem>> -> memref<16x256xf32, #tpu.memory_space<vmem>>
      %dma_start3A_44 = arith.constant 0 : i32
      %dma_start3A_45 = tpu.memref_slice %arg7[%multiple_of3A_10, %dma_start3A_44] : memref<320000x256xf32, #tpu.memory_space<hbm>> -> memref<16x256xf32, #tpu.memory_space<hbm>>
      %dma_start3A_46 = arith.constant 0 : i32
      %dma_start3A_47 = tpu.memref_slice %arg7[%multiple_of3A_10, %dma_start3A_46] : memref<320000x256xf32, #tpu.memory_space<hbm>> -> memref<16x256xf32, #tpu.memory_space<hbm>>
      %dma_start3A_48 = arith.constant 0 : i32
      %dma_start3A_49 = arith.constant 0 : i32
      %dma_start3A_50 = tpu.memref_slice %arg11[%dma_start3A_48, %dma_start3A_49] : memref<128x256xf32, #tpu.memory_space<vmem>> -> memref<16x256xf32, #tpu.memory_space<vmem>>
      tpu.enqueue_dma source(%dma_start3A_50 : memref<16x256xf32, #tpu.memory_space<vmem>>) target(%dma_start3A_47 : memref<16x256xf32, #tpu.memory_space<hbm>>) target_semaphore(%run_scoped3A : memref<!tpu.dma_semaphore, #tpu.memory_space<semaphore_mem>>)
      %dma_wait3A_51 = arith.constant 0 : i32
      %dma_wait3A_52 = arith.constant 0 : i32
      %dma_wait3A_53 = tpu.memref_slice %arg11[%dma_wait3A_51, %dma_wait3A_52] : memref<128x256xf32, #tpu.memory_space<vmem>> -> memref<16x256xf32, #tpu.memory_space<vmem>>
      %dma_wait3A_54 = arith.constant 0 : i32
      %dma_wait3A_55 = tpu.memref_slice %arg7[%multiple_of3A_10, %dma_wait3A_54] : memref<320000x256xf32, #tpu.memory_space<hbm>> -> memref<16x256xf32, #tpu.memory_space<hbm>>
      %dma_wait3A_56 = arith.constant 0 : i32
      %dma_wait3A_57 = tpu.memref_slice %arg7[%multiple_of3A_10, %dma_wait3A_56] : memref<320000x256xf32, #tpu.memory_space<hbm>> -> memref<16x256xf32, #tpu.memory_space<hbm>>
      %dma_wait3A_58 = arith.constant 0 : i32
      %dma_wait3A_59 = arith.constant 0 : i32
      %dma_wait3A_60 = tpu.memref_slice %arg11[%dma_wait3A_58, %dma_wait3A_59] : memref<128x256xf32, #tpu.memory_space<vmem>> -> memref<16x256xf32, #tpu.memory_space<vmem>>
      tpu.wait_dma2 semaphore(%run_scoped3A : memref<!tpu.dma_semaphore, #tpu.memory_space<semaphore_mem>>) src(%dma_wait3A_60 : memref<16x256xf32, #tpu.memory_space<vmem>>) dst(%dma_wait3A_57 : memref<16x256xf32, #tpu.memory_space<hbm>>)
      tpu.yield
    }) : () -> ()
    return
  }
}

module attributes {stable_mosaic.version = 14 : i64} {
  func.func @_tc1_body(%arg0: i32, %arg1: memref<2000x128xf32, #tpu.memory_space<vmem>>, %arg2: memref<1x128xf32, #tpu.memory_space<vmem>>, %arg3: memref<1x128xf32, #tpu.memory_space<vmem>>, %arg4: memref<128x128xf32, #tpu.memory_space<vmem>>, %arg5: memref<1x128xf32, #tpu.memory_space<vmem>>, %arg6: memref<128x128xf32, #tpu.memory_space<vmem>>, %arg7: memref<1x128xf32, #tpu.memory_space<vmem>>, %arg8: memref<128x128xf32, #tpu.memory_space<vmem>>, %arg9: memref<1x128xf32, #tpu.memory_space<vmem>>, %arg10: memref<2000x128xf32, #tpu.memory_space<vmem>>, %arg11: memref<2000x256xf32, #tpu.memory_space<vmem>>) attributes {dimension_semantics = [#tpu.dimension_semantics<arbitrary>], iteration_bounds = array<i64: 5>, scalar_prefetch = 0 : i64, scratch_operands = 0 : i64, tpu.core_type = #tpu.core_type<tc>, window_params = [{transform_indices = @transform_0, window_bounds = array<i64: 2000, 128>}, {pipeline_mode = #tpu.pipeline_mode<synchronous>, transform_indices = @transform_1, window_bounds = array<i64: 1, 128>}, {pipeline_mode = #tpu.pipeline_mode<synchronous>, transform_indices = @transform_2, window_bounds = array<i64: 1, 128>}, {pipeline_mode = #tpu.pipeline_mode<synchronous>, transform_indices = @transform_3, window_bounds = array<i64: 128, 128>}, {pipeline_mode = #tpu.pipeline_mode<synchronous>, transform_indices = @transform_4, window_bounds = array<i64: 1, 128>}, {pipeline_mode = #tpu.pipeline_mode<synchronous>, transform_indices = @transform_5, window_bounds = array<i64: 128, 128>}, {pipeline_mode = #tpu.pipeline_mode<synchronous>, transform_indices = @transform_6, window_bounds = array<i64: 1, 128>}, {pipeline_mode = #tpu.pipeline_mode<synchronous>, transform_indices = @transform_7, window_bounds = array<i64: 128, 128>}, {pipeline_mode = #tpu.pipeline_mode<synchronous>, transform_indices = @transform_8, window_bounds = array<i64: 1, 128>}, {transform_indices = @transform_9, window_bounds = array<i64: 2000, 128>}, {transform_indices = @transform_10, window_bounds = array<i64: 2000, 256>}]} {
    %get3A = arith.constant 0 : index
    %get3A_0 = arith.constant 0 : index
    %get3A_1 = vector.load %arg1[%get3A, %get3A_0] : memref<2000x128xf32, #tpu.memory_space<vmem>>, vector<2000x128xf32>
    %get3A_2 = arith.constant 0 : index
    %get3A_3 = arith.constant 0 : index
    %get3A_4 = vector.load %arg2[%get3A_2, %get3A_3] : memref<1x128xf32, #tpu.memory_space<vmem>>, vector<1x128xf32>
    %get3A_5 = arith.constant 0 : index
    %get3A_6 = arith.constant 0 : index
    %get3A_7 = vector.load %arg3[%get3A_5, %get3A_6] : memref<1x128xf32, #tpu.memory_space<vmem>>, vector<1x128xf32>
    %reduce_sum3A = arith.constant dense<0.000000e+00> : vector<2000xf32>
    %reduce_sum3A_8 = vector.multi_reduction <add>, %get3A_1, %reduce_sum3A [1] : vector<2000x128xf32> to vector<2000xf32>
    %broadcast_in_dim3A = vector.shape_cast %reduce_sum3A_8 : vector<2000xf32> to vector<2000x1xf32>
    %div3A = arith.constant 1.280000e+02 : f32
    %div3A_9 = vector.broadcast %div3A : f32 to vector<2000x1xf32>
    %div3A_10 = arith.divf %broadcast_in_dim3A, %div3A_9 : vector<2000x1xf32>
    %sub3A = vector.broadcast %div3A_10 : vector<2000x1xf32> to vector<2000x128xf32>
    %sub3A_11 = arith.subf %get3A_1, %sub3A : vector<2000x128xf32>
    %integer_pow3A = arith.mulf %sub3A_11, %sub3A_11 : vector<2000x128xf32>
    %reduce_sum3A_12 = arith.constant dense<0.000000e+00> : vector<2000xf32>
    %reduce_sum3A_13 = vector.multi_reduction <add>, %integer_pow3A, %reduce_sum3A_12 [1] : vector<2000x128xf32> to vector<2000xf32>
    %broadcast_in_dim3A_14 = vector.shape_cast %reduce_sum3A_13 : vector<2000xf32> to vector<2000x1xf32>
    %div3A_15 = arith.constant 1.280000e+02 : f32
    %div3A_16 = vector.broadcast %div3A_15 : f32 to vector<2000x1xf32>
    %div3A_17 = arith.divf %broadcast_in_dim3A_14, %div3A_16 : vector<2000x1xf32>
    %sub3A_18 = vector.broadcast %div3A_10 : vector<2000x1xf32> to vector<2000x128xf32>
    %sub3A_19 = arith.subf %get3A_1, %sub3A_18 : vector<2000x128xf32>
    %add3A = arith.constant 9.99999974E-6 : f32
    %add3A_20 = vector.broadcast %add3A : f32 to vector<2000x1xf32>
    %add3A_21 = arith.addf %div3A_17, %add3A_20 : vector<2000x1xf32>
    %sqrt3A = math.sqrt %add3A_21 : vector<2000x1xf32>
    %div3A_22 = vector.broadcast %sqrt3A : vector<2000x1xf32> to vector<2000x128xf32>
    %div3A_23 = arith.divf %sub3A_19, %div3A_22 : vector<2000x128xf32>
    %mul3A = vector.broadcast %get3A_4 : vector<1x128xf32> to vector<2000x128xf32>
    %mul3A_24 = arith.mulf %div3A_23, %mul3A : vector<2000x128xf32>
    %add3A_25 = vector.broadcast %get3A_7 : vector<1x128xf32> to vector<2000x128xf32>
    %add3A_26 = arith.addf %mul3A_24, %add3A_25 : vector<2000x128xf32>
    %get3A_27 = arith.constant 0 : index
    %get3A_28 = arith.constant 0 : index
    %get3A_29 = vector.load %arg4[%get3A_27, %get3A_28] : memref<128x128xf32, #tpu.memory_space<vmem>>, vector<128x128xf32>
    %dot_general3A = arith.constant dense<0.000000e+00> : vector<2000x128xf32>
    %dot_general3A_30 = tpu.matmul %add3A_26, %get3A_29, %dot_general3A {dimension_numbers = #tpu.dot_dimension_numbers<[1], [0], [0], [1], [0, 0, 1, 1], [], []>, transpose_lhs_hint = false} : vector<2000x128xf32>, vector<128x128xf32>, vector<2000x128xf32> -> vector<2000x128xf32>
    %get3A_31 = arith.constant 0 : index
    %get3A_32 = arith.constant 0 : index
    %get3A_33 = vector.load %arg5[%get3A_31, %get3A_32] : memref<1x128xf32, #tpu.memory_space<vmem>>, vector<1x128xf32>
    %add3A_34 = vector.broadcast %get3A_33 : vector<1x128xf32> to vector<2000x128xf32>
    %add3A_35 = arith.addf %dot_general3A_30, %add3A_34 : vector<2000x128xf32>
    %swap3A = arith.constant 0 : index
    %swap3A_36 = arith.constant 0 : index
    %swap3A_37 = vector.load %arg10[%swap3A, %swap3A_36] : memref<2000x128xf32, #tpu.memory_space<vmem>>, vector<2000x128xf32>
    tpu.vector_store %arg10[%swap3A, %swap3A_36], %add3A_35 {strides = array<i32>} : memref<2000x128xf32, #tpu.memory_space<vmem>>, vector<2000x128xf32>,
    %get3A_38 = arith.constant 0 : index
    %get3A_39 = arith.constant 0 : index
    %get3A_40 = vector.load %arg6[%get3A_38, %get3A_39] : memref<128x128xf32, #tpu.memory_space<vmem>>, vector<128x128xf32>
    %dot_general3A_41 = arith.constant dense<0.000000e+00> : vector<2000x128xf32>
    %dot_general3A_42 = tpu.matmul %add3A_26, %get3A_40, %dot_general3A_41 {dimension_numbers = #tpu.dot_dimension_numbers<[1], [0], [0], [1], [0, 0, 1, 1], [], []>, transpose_lhs_hint = false} : vector<2000x128xf32>, vector<128x128xf32>, vector<2000x128xf32> -> vector<2000x128xf32>
    %get3A_43 = arith.constant 0 : index
    %get3A_44 = arith.constant 0 : index
    %get3A_45 = vector.load %arg7[%get3A_43, %get3A_44] : memref<1x128xf32, #tpu.memory_space<vmem>>, vector<1x128xf32>
    %add3A_46 = vector.broadcast %get3A_45 : vector<1x128xf32> to vector<2000x128xf32>
    %add3A_47 = arith.addf %dot_general3A_42, %add3A_46 : vector<2000x128xf32>
    %swap3A_48 = arith.constant 0 : index
    %swap3A_49 = arith.constant 0 : index
    %swap3A_50 = vector.load %arg11[%swap3A_48, %swap3A_49] : memref<2000x256xf32, #tpu.memory_space<vmem>>, vector<2000x128xf32>
    tpu.vector_store %arg11[%swap3A_48, %swap3A_49], %add3A_47 {strides = array<i32>} : memref<2000x256xf32, #tpu.memory_space<vmem>>, vector<2000x128xf32>,
    %get3A_51 = arith.constant 0 : index
    %get3A_52 = arith.constant 0 : index
    %get3A_53 = vector.load %arg8[%get3A_51, %get3A_52] : memref<128x128xf32, #tpu.memory_space<vmem>>, vector<128x128xf32>
    %dot_general3A_54 = arith.constant dense<0.000000e+00> : vector<2000x128xf32>
    %dot_general3A_55 = tpu.matmul %add3A_26, %get3A_53, %dot_general3A_54 {dimension_numbers = #tpu.dot_dimension_numbers<[1], [0], [0], [1], [0, 0, 1, 1], [], []>, transpose_lhs_hint = false} : vector<2000x128xf32>, vector<128x128xf32>, vector<2000x128xf32> -> vector<2000x128xf32>
    %get3A_56 = arith.constant 0 : index
    %get3A_57 = arith.constant 0 : index
    %get3A_58 = vector.load %arg9[%get3A_56, %get3A_57] : memref<1x128xf32, #tpu.memory_space<vmem>>, vector<1x128xf32>
    %add3A_59 = vector.broadcast %get3A_58 : vector<1x128xf32> to vector<2000x128xf32>
    %add3A_60 = arith.addf %dot_general3A_55, %add3A_59 : vector<2000x128xf32>
    %swap3A_61 = arith.constant 0 : index
    %swap3A_62 = arith.constant 128 : index
    %swap3A_63 = vector.load %arg11[%swap3A_61, %swap3A_62] : memref<2000x256xf32, #tpu.memory_space<vmem>>, vector<2000x128xf32>
    tpu.vector_store %arg11[%swap3A_61, %swap3A_62], %add3A_60 {strides = array<i32>} : memref<2000x256xf32, #tpu.memory_space<vmem>>, vector<2000x128xf32>,
    return
  }
  func.func @transform_0(%arg0: i32) -> (i32, i32) {
    %c0_i32 = arith.constant 0 : i32
    %c0_i32_0 = arith.constant 0 : i32
    return %arg0, %c0_i32 : i32, i32
  }
  func.func @transform_1(%arg0: i32) -> (i32, i32) {
    %c0_i32 = arith.constant 0 : i32
    %c0_i32_0 = arith.constant 0 : i32
    %c0_i32_1 = arith.constant 0 : i32
    return %c0_i32, %c0_i32_0 : i32, i32
  }
  func.func @transform_2(%arg0: i32) -> (i32, i32) {
    %c0_i32 = arith.constant 0 : i32
    %c0_i32_0 = arith.constant 0 : i32
    %c0_i32_1 = arith.constant 0 : i32
    return %c0_i32, %c0_i32_0 : i32, i32
  }
  func.func @transform_3(%arg0: i32) -> (i32, i32) {
    %c0_i32 = arith.constant 0 : i32
    %c0_i32_0 = arith.constant 0 : i32
    %c0_i32_1 = arith.constant 0 : i32
    return %c0_i32, %c0_i32_0 : i32, i32
  }
  func.func @transform_4(%arg0: i32) -> (i32, i32) {
    %c0_i32 = arith.constant 0 : i32
    %c0_i32_0 = arith.constant 0 : i32
    %c0_i32_1 = arith.constant 0 : i32
    return %c0_i32, %c0_i32_0 : i32, i32
  }
  func.func @transform_5(%arg0: i32) -> (i32, i32) {
    %c0_i32 = arith.constant 0 : i32
    %c0_i32_0 = arith.constant 0 : i32
    %c0_i32_1 = arith.constant 0 : i32
    return %c0_i32, %c0_i32_0 : i32, i32
  }
  func.func @transform_6(%arg0: i32) -> (i32, i32) {
    %c0_i32 = arith.constant 0 : i32
    %c0_i32_0 = arith.constant 0 : i32
    %c0_i32_1 = arith.constant 0 : i32
    return %c0_i32, %c0_i32_0 : i32, i32
  }
  func.func @transform_7(%arg0: i32) -> (i32, i32) {
    %c0_i32 = arith.constant 0 : i32
    %c0_i32_0 = arith.constant 0 : i32
    %c0_i32_1 = arith.constant 0 : i32
    return %c0_i32, %c0_i32_0 : i32, i32
  }
  func.func @transform_8(%arg0: i32) -> (i32, i32) {
    %c0_i32 = arith.constant 0 : i32
    %c0_i32_0 = arith.constant 0 : i32
    %c0_i32_1 = arith.constant 0 : i32
    return %c0_i32, %c0_i32_0 : i32, i32
  }
  func.func @transform_9(%arg0: i32) -> (i32, i32) {
    %c0_i32 = arith.constant 0 : i32
    %c0_i32_0 = arith.constant 0 : i32
    return %arg0, %c0_i32 : i32, i32
  }
  func.func @transform_10(%arg0: i32) -> (i32, i32) {
    %c0_i32 = arith.constant 0 : i32
    %c0_i32_0 = arith.constant 0 : i32
    return %arg0, %c0_i32 : i32, i32
  }
}

module attributes {stable_mosaic.version = 14 : i64} {
  func.func @_tc2_body(%arg0: i32, %arg1: memref<2000x128xf32, #tpu.memory_space<vmem>>, %arg2: memref<2000x256xf32, #tpu.memory_space<vmem>>, %arg3: memref<2000x16xf32, #tpu.memory_space<vmem>>, %arg4: memref<25x1x80xi32, #tpu.memory_space<vmem>>, %arg5: memref<16x128xf32, #tpu.memory_space<vmem>>, %arg6: memref<1x128xf32, #tpu.memory_space<vmem>>, %arg7: memref<128x16xf32, #tpu.memory_space<vmem>>, %arg8: memref<1x16xf32, #tpu.memory_space<vmem>>, %arg9: memref<1x16xf32, #tpu.memory_space<vmem>>, %arg10: memref<1x16xf32, #tpu.memory_space<vmem>>, %arg11: memref<128x8xf32, #tpu.memory_space<vmem>>, %arg12: memref<8x128xf32, #tpu.memory_space<vmem>>, %arg13: memref<1x16xf32, #tpu.memory_space<vmem>>, %arg14: memref<1x16xf32, #tpu.memory_space<vmem>>, %arg15: memref<16x64xf32, #tpu.memory_space<vmem>>, %arg16: memref<1x64xf32, #tpu.memory_space<vmem>>, %arg17: memref<64x16xf32, #tpu.memory_space<vmem>>, %arg18: memref<1x16xf32, #tpu.memory_space<vmem>>, %arg19: memref<2000x16xf32, #tpu.memory_space<vmem>>, %arg20: memref<2000x256xf32, #tpu.memory_space<vmem>>, %arg21: memref<25x1x80xi32, #tpu.memory_space<vmem>>) attributes {dimension_semantics = [#tpu.dimension_semantics<arbitrary>], iteration_bounds = array<i64: 160>, scalar_prefetch = 0 : i64, scratch_operands = 0 : i64, tpu.core_type = #tpu.core_type<tc>, window_params = [{transform_indices = @transform_0, window_bounds = array<i64: 2000, 128>}, {transform_indices = @transform_1, window_bounds = array<i64: 2000, 256>}, {transform_indices = @transform_2, window_bounds = array<i64: 2000, 16>}, {transform_indices = @transform_3, window_bounds = array<i64: 25, 1, 80>}, {pipeline_mode = #tpu.pipeline_mode<synchronous>, transform_indices = @transform_4, window_bounds = array<i64: 16, 128>}, {pipeline_mode = #tpu.pipeline_mode<synchronous>, transform_indices = @transform_5, window_bounds = array<i64: 1, 128>}, {pipeline_mode = #tpu.pipeline_mode<synchronous>, transform_indices = @transform_6, window_bounds = array<i64: 128, 16>}, {pipeline_mode = #tpu.pipeline_mode<synchronous>, transform_indices = @transform_7, window_bounds = array<i64: 1, 16>}, {pipeline_mode = #tpu.pipeline_mode<synchronous>, transform_indices = @transform_8, window_bounds = array<i64: 1, 16>}, {pipeline_mode = #tpu.pipeline_mode<synchronous>, transform_indices = @transform_9, window_bounds = array<i64: 1, 16>}, {pipeline_mode = #tpu.pipeline_mode<synchronous>, transform_indices = @transform_10, window_bounds = array<i64: 128, 8>}, {pipeline_mode = #tpu.pipeline_mode<synchronous>, transform_indices = @transform_11, window_bounds = array<i64: 8, 128>}, {pipeline_mode = #tpu.pipeline_mode<synchronous>, transform_indices = @transform_12, window_bounds = array<i64: 1, 16>}, {pipeline_mode = #tpu.pipeline_mode<synchronous>, transform_indices = @transform_13, window_bounds = array<i64: 1, 16>}, {pipeline_mode = #tpu.pipeline_mode<synchronous>, transform_indices = @transform_14, window_bounds = array<i64: 16, 64>}, {pipeline_mode = #tpu.pipeline_mode<synchronous>, transform_indices = @transform_15, window_bounds = array<i64: 1, 64>}, {pipeline_mode = #tpu.pipeline_mode<synchronous>, transform_indices = @transform_16, window_bounds = array<i64: 64, 16>}, {pipeline_mode = #tpu.pipeline_mode<synchronous>, transform_indices = @transform_17, window_bounds = array<i64: 1, 16>}, {transform_indices = @transform_18, window_bounds = array<i64: 2000, 16>}, {transform_indices = @transform_19, window_bounds = array<i64: 2000, 256>}, {transform_indices = @transform_20, window_bounds = array<i64: 25, 1, 80>}]} {
    %get3A = arith.constant 0 : index
    %get3A_0 = arith.constant 0 : index
    %get3A_1 = vector.load %arg2[%get3A, %get3A_0] : memref<2000x256xf32, #tpu.memory_space<vmem>>, vector<2000x128xf32>
    %get3A_2 = arith.constant 0 : index
    %get3A_3 = arith.constant 128 : index
    %get3A_4 = vector.load %arg2[%get3A_2, %get3A_3] : memref<2000x256xf32, #tpu.memory_space<vmem>>, vector<2000x128xf32>
    %get3A_5 = arith.constant 0 : index
    %get3A_6 = arith.constant 0 : index
    %get3A_7 = vector.load %arg3[%get3A_5, %get3A_6] : memref<2000x16xf32, #tpu.memory_space<vmem>>, vector<2000x16xf32>
    %get3A_8 = arith.constant 0 : index
    %get3A_9 = arith.constant 0 : index
    %get3A_10 = vector.load %arg9[%get3A_8, %get3A_9] : memref<1x16xf32, #tpu.memory_space<vmem>>, vector<1x16xf32>
    %get3A_11 = arith.constant 0 : index
    %get3A_12 = arith.constant 0 : index
    %get3A_13 = vector.load %arg10[%get3A_11, %get3A_12] : memref<1x16xf32, #tpu.memory_space<vmem>>, vector<1x16xf32>
    %reduce_sum3A = arith.constant dense<0.000000e+00> : vector<2000xf32>
    %reduce_sum3A_14 = vector.multi_reduction <add>, %get3A_7, %reduce_sum3A [1] : vector<2000x16xf32> to vector<2000xf32>
    %broadcast_in_dim3A = vector.shape_cast %reduce_sum3A_14 : vector<2000xf32> to vector<2000x1xf32>
    %div3A = arith.constant 1.600000e+01 : f32
    %div3A_15 = vector.broadcast %div3A : f32 to vector<2000x1xf32>
    %div3A_16 = arith.divf %broadcast_in_dim3A, %div3A_15 : vector<2000x1xf32>
    %sub3A = vector.broadcast %div3A_16 : vector<2000x1xf32> to vector<2000x16xf32>
    %sub3A_17 = arith.subf %get3A_7, %sub3A : vector<2000x16xf32>
    %integer_pow3A = arith.mulf %sub3A_17, %sub3A_17 : vector<2000x16xf32>
    %reduce_sum3A_18 = arith.constant dense<0.000000e+00> : vector<2000xf32>
    %reduce_sum3A_19 = vector.multi_reduction <add>, %integer_pow3A, %reduce_sum3A_18 [1] : vector<2000x16xf32> to vector<2000xf32>
    %broadcast_in_dim3A_20 = vector.shape_cast %reduce_sum3A_19 : vector<2000xf32> to vector<2000x1xf32>
    %div3A_21 = arith.constant 1.600000e+01 : f32
    %div3A_22 = vector.broadcast %div3A_21 : f32 to vector<2000x1xf32>
    %div3A_23 = arith.divf %broadcast_in_dim3A_20, %div3A_22 : vector<2000x1xf32>
    %sub3A_24 = vector.broadcast %div3A_16 : vector<2000x1xf32> to vector<2000x16xf32>
    %sub3A_25 = arith.subf %get3A_7, %sub3A_24 : vector<2000x16xf32>
    %add3A = arith.constant 9.99999974E-6 : f32
    %add3A_26 = vector.broadcast %add3A : f32 to vector<2000x1xf32>
    %add3A_27 = arith.addf %div3A_23, %add3A_26 : vector<2000x1xf32>
    %sqrt3A = math.sqrt %add3A_27 : vector<2000x1xf32>
    %div3A_28 = vector.broadcast %sqrt3A : vector<2000x1xf32> to vector<2000x16xf32>
    %div3A_29 = arith.divf %sub3A_25, %div3A_28 : vector<2000x16xf32>
    %mul3A = vector.broadcast %get3A_10 : vector<1x16xf32> to vector<2000x16xf32>
    %mul3A_30 = arith.mulf %div3A_29, %mul3A : vector<2000x16xf32>
    %add3A_31 = vector.broadcast %get3A_13 : vector<1x16xf32> to vector<2000x16xf32>
    %add3A_32 = arith.addf %mul3A_30, %add3A_31 : vector<2000x16xf32>
    %get3A_33 = arith.constant 0 : index
    %get3A_34 = arith.constant 0 : index
    %get3A_35 = vector.load %arg5[%get3A_33, %get3A_34] : memref<16x128xf32, #tpu.memory_space<vmem>>, vector<16x128xf32>
    %dot_general3A = arith.constant dense<0.000000e+00> : vector<2000x128xf32>
    %dot_general3A_36 = tpu.matmul %add3A_32, %get3A_35, %dot_general3A {dimension_numbers = #tpu.dot_dimension_numbers<[1], [0], [0], [1], [0, 0, 1, 1], [], []>, transpose_lhs_hint = false} : vector<2000x16xf32>, vector<16x128xf32>, vector<2000x128xf32> -> vector<2000x128xf32>
    %get3A_37 = arith.constant 0 : index
    %get3A_38 = arith.constant 0 : index
    %get3A_39 = vector.load %arg6[%get3A_37, %get3A_38] : memref<1x128xf32, #tpu.memory_space<vmem>>, vector<1x128xf32>
    %add3A_40 = vector.broadcast %get3A_39 : vector<1x128xf32> to vector<2000x128xf32>
    %add3A_41 = arith.addf %dot_general3A_36, %add3A_40 : vector<2000x128xf32>
    %get3A_42 = arith.constant 0 : index
    %get3A_43 = arith.constant 0 : index
    %get3A_44 = vector.load %arg1[%get3A_42, %get3A_43] : memref<2000x128xf32, #tpu.memory_space<vmem>>, vector<2000x128xf32>
    %mul3A_45 = arith.mulf %get3A_44, %get3A_1 : vector<2000x128xf32>
    %mul3A_46 = arith.mulf %mul3A_45, %add3A_41 : vector<2000x128xf32>
    %mul3A_47 = arith.constant 2.500000e-01 : f32
    %mul3A_48 = vector.broadcast %mul3A_47 : f32 to vector<2000x128xf32>
    %mul3A_49 = arith.mulf %mul3A_46, %mul3A_48 : vector<2000x128xf32>
    %get3A_50 = arith.constant 0 : index
    %get3A_51 = arith.constant 0 : index
    %get3A_52 = vector.load %arg7[%get3A_50, %get3A_51] : memref<128x16xf32, #tpu.memory_space<vmem>>, vector<128x16xf32>
    %dot_general3A_53 = arith.constant dense<0.000000e+00> : vector<2000x16xf32>
    %dot_general3A_54 = tpu.matmul %mul3A_49, %get3A_52, %dot_general3A_53 {dimension_numbers = #tpu.dot_dimension_numbers<[1], [0], [0], [1], [0, 0, 1, 1], [], []>, transpose_lhs_hint = false} : vector<2000x128xf32>, vector<128x16xf32>, vector<2000x16xf32> -> vector<2000x16xf32>
    %get3A_55 = arith.constant 0 : index
    %get3A_56 = arith.constant 0 : index
    %get3A_57 = vector.load %arg8[%get3A_55, %get3A_56] : memref<1x16xf32, #tpu.memory_space<vmem>>, vector<1x16xf32>
    %add3A_58 = vector.broadcast %get3A_57 : vector<1x16xf32> to vector<2000x16xf32>
    %add3A_59 = arith.addf %dot_general3A_54, %add3A_58 : vector<2000x16xf32>
    %get3A_60 = arith.constant 0 : index
    %get3A_61 = arith.constant 0 : index
    %get3A_62 = vector.load %arg11[%get3A_60, %get3A_61] : memref<128x8xf32, #tpu.memory_space<vmem>>, vector<128x8xf32>
    %dot_general3A_63 = arith.constant dense<0.000000e+00> : vector<2000x8xf32>
    %dot_general3A_64 = tpu.matmul %mul3A_49, %get3A_62, %dot_general3A_63 {dimension_numbers = #tpu.dot_dimension_numbers<[1], [0], [0], [1], [0, 0, 1, 1], [], []>, transpose_lhs_hint = false} : vector<2000x128xf32>, vector<128x8xf32>, vector<2000x8xf32> -> vector<2000x8xf32>
    %exp3A = math.exp %dot_general3A_64 : vector<2000x8xf32>
    %get3A_65 = arith.constant 0 : index
    %get3A_66 = arith.constant 0 : index
    %get3A_67 = vector.load %arg12[%get3A_65, %get3A_66] : memref<8x128xf32, #tpu.memory_space<vmem>>, vector<8x128xf32>
    %dot_general3A_68 = arith.constant dense<0.000000e+00> : vector<2000x128xf32>
    %dot_general3A_69 = tpu.matmul %exp3A, %get3A_67, %dot_general3A_68 {dimension_numbers = #tpu.dot_dimension_numbers<[1], [0], [0], [1], [0, 0, 1, 1], [], []>, transpose_lhs_hint = false} : vector<2000x8xf32>, vector<8x128xf32>, vector<2000x128xf32> -> vector<2000x128xf32>
    %mul3A_70 = arith.mulf %dot_general3A_69, %get3A_4 : vector<2000x128xf32>
    %concatenate3A = tpu.concatenate %mul3A_70, %dot_general3A_69 in 1 : vector<2000x128xf32>, vector<2000x128xf32> -> vector<2000x256xf32>
    %get3A_71 = arith.constant 0 : index
    %get3A_72 = arith.constant 0 : index
    %get3A_73 = arith.constant 0 : index
    %get3A_74 = vector.load %arg4[%get3A_71, %get3A_72, %get3A_73] : memref<25x1x80xi32, #tpu.memory_space<vmem>>, vector<25x1x80xi32>
    %reshape3A = vector.shape_cast %get3A_74 : vector<25x1x80xi32> to vector<25x80xi32>
    %broadcast_in_dim3A_75 = vector.shape_cast %reshape3A : vector<25x80xi32> to vector<25x80x1xi32>
    %broadcast_in_dim3A_76 = vector.shape_cast %reshape3A : vector<25x80xi32> to vector<25x1x80xi32>
    %eq3A = vector.broadcast %broadcast_in_dim3A_75 : vector<25x80x1xi32> to vector<25x80x80xi32>
    %eq3A_77 = vector.broadcast %broadcast_in_dim3A_76 : vector<25x1x80xi32> to vector<25x80x80xi32>
    %eq3A_78 = arith.cmpi eq, %eq3A, %eq3A_77 : vector<25x80x80xi32>
    %convert_element_type3A = arith.extui %eq3A_78 : vector<25x80x80xi1> to vector<25x80x80xi32>
    %convert_element_type3A_79 = arith.sitofp %convert_element_type3A : vector<25x80x80xi32> to vector<25x80x80xf32>
    %iota3A = tpu.iota {dimensions = array<i32: 0>} : vector<80x80xi32>
    %iota3A_80 = tpu.iota {dimensions = array<i32: 1>} : vector<80x80xi32>
    %lt3A = arith.cmpi slt, %iota3A_80, %iota3A : vector<80x80xi32>
    %convert_element_type3A_81 = arith.extui %lt3A : vector<80x80xi1> to vector<80x80xi32>
    %convert_element_type3A_82 = arith.sitofp %convert_element_type3A_81 : vector<80x80xi32> to vector<80x80xf32>
    %broadcast_in_dim3A_83 = vector.shape_cast %convert_element_type3A_82 : vector<80x80xf32> to vector<1x80x80xf32>
    %mul3A_84 = vector.broadcast %broadcast_in_dim3A_83 : vector<1x80x80xf32> to vector<25x80x80xf32>
    %mul3A_85 = arith.mulf %convert_element_type3A_79, %mul3A_84 : vector<25x80x80xf32>
    %reduce_sum3A_86 = arith.constant dense<0.000000e+00> : vector<25x80xf32>
    %reduce_sum3A_87 = vector.multi_reduction <add>, %mul3A_85, %reduce_sum3A_86 [2] : vector<25x80x80xf32> to vector<25x80xf32>
    %eq3A_88 = arith.constant 0.000000e+00 : f32
    %eq3A_89 = vector.broadcast %eq3A_88 : f32 to vector<25x80xf32>
    %eq3A_90 = arith.cmpf oeq, %reduce_sum3A_87, %eq3A_89 : vector<25x80xf32>
    %reshape3A_91 = vector.shape_cast %concatenate3A : vector<2000x256xf32> to vector<25x80x256xf32>
    %dot_general3A_92 = arith.constant dense<0.000000e+00> : vector<25x80x256xf32>
    %dot_general3A_93 = tpu.matmul %convert_element_type3A_79, %reshape3A_91, %dot_general3A_92 {dimension_numbers = #tpu.dot_dimension_numbers<[2], [1], [1], [2], [0, 0, 0, 1, 1, 2], [0], [0]>, transpose_lhs_hint = false} : vector<25x80x80xf32>, vector<25x80x256xf32>, vector<25x80x256xf32> -> vector<25x80x256xf32>
    %broadcast_in_dim3A_94 = vector.shape_cast %eq3A_90 : vector<25x80xi1> to vector<25x80x1xi1>
    %jit3A = arith.constant 0.000000e+00 : f32
    %broadcast_in_dim3A_95 = vector.shape_cast %broadcast_in_dim3A_94 : vector<25x80x1xi1> to vector<25x80x1xi1>
    %broadcast_in_dim3A_96 = vector.broadcast %broadcast_in_dim3A_95 : vector<25x80x1xi1> to vector<25x80x256xi1>
    %broadcast_in_dim3A_97 = vector.broadcast %jit3A : f32 to vector<25x80x256xf32>
    %select_n3A = arith.select %broadcast_in_dim3A_96, %dot_general3A_93, %broadcast_in_dim3A_97 : vector<25x80x256xi1>, vector<25x80x256xf32>
    %reshape3A_98 = vector.shape_cast %select_n3A : vector<25x80x256xf32> to vector<2000x256xf32>
    %swap3A = arith.constant 0 : index
    %swap3A_99 = arith.constant 0 : index
    %swap3A_100 = vector.load %arg20[%swap3A, %swap3A_99] : memref<2000x256xf32, #tpu.memory_space<vmem>>, vector<2000x256xf32>
    tpu.vector_store %arg20[%swap3A, %swap3A_99], %reshape3A_98 {strides = array<i32>} : memref<2000x256xf32, #tpu.memory_space<vmem>>, vector<2000x256xf32>,
    %jit3A_101 = arith.constant 10240 : i32
    %broadcast_in_dim3A_102 = vector.broadcast %jit3A_101 : i32 to vector<25x80xi32>
    %select_n3A_103 = arith.select %eq3A_90, %reshape3A, %broadcast_in_dim3A_102 : vector<25x80xi1>, vector<25x80xi32>
    %reshape3A_104 = vector.shape_cast %select_n3A_103 : vector<25x80xi32> to vector<25x1x80xi32>
    %swap3A_105 = arith.constant 0 : index
    %swap3A_106 = arith.constant 0 : index
    %swap3A_107 = arith.constant 0 : index
    %swap3A_108 = vector.load %arg21[%swap3A_105, %swap3A_106, %swap3A_107] : memref<25x1x80xi32, #tpu.memory_space<vmem>>, vector<25x1x80xi32>
    tpu.vector_store %arg21[%swap3A_105, %swap3A_106, %swap3A_107], %reshape3A_104 {strides = array<i32>} : memref<25x1x80xi32, #tpu.memory_space<vmem>>, vector<25x1x80xi32>,
    %add3A_109 = arith.addf %add3A_59, %get3A_7 : vector<2000x16xf32>
    %get3A_110 = arith.constant 0 : index
    %get3A_111 = arith.constant 0 : index
    %get3A_112 = vector.load %arg13[%get3A_110, %get3A_111] : memref<1x16xf32, #tpu.memory_space<vmem>>, vector<1x16xf32>
    %get3A_113 = arith.constant 0 : index
    %get3A_114 = arith.constant 0 : index
    %get3A_115 = vector.load %arg14[%get3A_113, %get3A_114] : memref<1x16xf32, #tpu.memory_space<vmem>>, vector<1x16xf32>
    %reduce_sum3A_116 = arith.constant dense<0.000000e+00> : vector<2000xf32>
    %reduce_sum3A_117 = vector.multi_reduction <add>, %add3A_109, %reduce_sum3A_116 [1] : vector<2000x16xf32> to vector<2000xf32>
    %broadcast_in_dim3A_118 = vector.shape_cast %reduce_sum3A_117 : vector<2000xf32> to vector<2000x1xf32>
    %div3A_119 = arith.constant 1.600000e+01 : f32
    %div3A_120 = vector.broadcast %div3A_119 : f32 to vector<2000x1xf32>
    %div3A_121 = arith.divf %broadcast_in_dim3A_118, %div3A_120 : vector<2000x1xf32>
    %sub3A_122 = vector.broadcast %div3A_121 : vector<2000x1xf32> to vector<2000x16xf32>
    %sub3A_123 = arith.subf %add3A_109, %sub3A_122 : vector<2000x16xf32>
    %integer_pow3A_124 = arith.mulf %sub3A_123, %sub3A_123 : vector<2000x16xf32>
    %reduce_sum3A_125 = arith.constant dense<0.000000e+00> : vector<2000xf32>
    %reduce_sum3A_126 = vector.multi_reduction <add>, %integer_pow3A_124, %reduce_sum3A_125 [1] : vector<2000x16xf32> to vector<2000xf32>
    %broadcast_in_dim3A_127 = vector.shape_cast %reduce_sum3A_126 : vector<2000xf32> to vector<2000x1xf32>
    %div3A_128 = arith.constant 1.600000e+01 : f32
    %div3A_129 = vector.broadcast %div3A_128 : f32 to vector<2000x1xf32>
    %div3A_130 = arith.divf %broadcast_in_dim3A_127, %div3A_129 : vector<2000x1xf32>
    %sub3A_131 = vector.broadcast %div3A_121 : vector<2000x1xf32> to vector<2000x16xf32>
    %sub3A_132 = arith.subf %add3A_109, %sub3A_131 : vector<2000x16xf32>
    %add3A_133 = arith.constant 9.99999974E-6 : f32
    %add3A_134 = vector.broadcast %add3A_133 : f32 to vector<2000x1xf32>
    %add3A_135 = arith.addf %div3A_130, %add3A_134 : vector<2000x1xf32>
    %sqrt3A_136 = math.sqrt %add3A_135 : vector<2000x1xf32>
    %div3A_137 = vector.broadcast %sqrt3A_136 : vector<2000x1xf32> to vector<2000x16xf32>
    %div3A_138 = arith.divf %sub3A_132, %div3A_137 : vector<2000x16xf32>
    %mul3A_139 = vector.broadcast %get3A_112 : vector<1x16xf32> to vector<2000x16xf32>
    %mul3A_140 = arith.mulf %div3A_138, %mul3A_139 : vector<2000x16xf32>
    %add3A_141 = vector.broadcast %get3A_115 : vector<1x16xf32> to vector<2000x16xf32>
    %add3A_142 = arith.addf %mul3A_140, %add3A_141 : vector<2000x16xf32>
    %get3A_143 = arith.constant 0 : index
    %get3A_144 = arith.constant 0 : index
    %get3A_145 = vector.load %arg15[%get3A_143, %get3A_144] : memref<16x64xf32, #tpu.memory_space<vmem>>, vector<16x64xf32>
    %dot_general3A_146 = arith.constant dense<0.000000e+00> : vector<2000x64xf32>
    %dot_general3A_147 = tpu.matmul %add3A_142, %get3A_145, %dot_general3A_146 {dimension_numbers = #tpu.dot_dimension_numbers<[1], [0], [0], [1], [0, 0, 1, 1], [], []>, transpose_lhs_hint = false} : vector<2000x16xf32>, vector<16x64xf32>, vector<2000x64xf32> -> vector<2000x64xf32>
    %get3A_148 = arith.constant 0 : index
    %get3A_149 = arith.constant 0 : index
    %get3A_150 = vector.load %arg16[%get3A_148, %get3A_149] : memref<1x64xf32, #tpu.memory_space<vmem>>, vector<1x64xf32>
    %add3A_151 = vector.broadcast %get3A_150 : vector<1x64xf32> to vector<2000x64xf32>
    %add3A_152 = arith.addf %dot_general3A_147, %add3A_151 : vector<2000x64xf32>
    %mul3A_153 = arith.constant 5.000000e-01 : f32
    %mul3A_154 = vector.broadcast %mul3A_153 : f32 to vector<2000x64xf32>
    %mul3A_155 = arith.mulf %add3A_152, %mul3A_154 : vector<2000x64xf32>
    %mul3A_156 = arith.constant 0.707106769 : f32
    %mul3A_157 = vector.broadcast %mul3A_156 : f32 to vector<2000x64xf32>
    %mul3A_158 = arith.mulf %add3A_152, %mul3A_157 : vector<2000x64xf32>
    %erf3A = math.erf %mul3A_158 : vector<2000x64xf32>
    %add3A_159 = arith.constant 1.000000e+00 : f32
    %add3A_160 = vector.broadcast %add3A_159 : f32 to vector<2000x64xf32>
    %add3A_161 = arith.addf %add3A_160, %erf3A : vector<2000x64xf32>
    %mul3A_162 = arith.mulf %mul3A_155, %add3A_161 : vector<2000x64xf32>
    %get3A_163 = arith.constant 0 : index
    %get3A_164 = arith.constant 0 : index
    %get3A_165 = vector.load %arg17[%get3A_163, %get3A_164] : memref<64x16xf32, #tpu.memory_space<vmem>>, vector<64x16xf32>
    %dot_general3A_166 = arith.constant dense<0.000000e+00> : vector<2000x16xf32>
    %dot_general3A_167 = tpu.matmul %mul3A_162, %get3A_165, %dot_general3A_166 {dimension_numbers = #tpu.dot_dimension_numbers<[1], [0], [0], [1], [0, 0, 1, 1], [], []>, transpose_lhs_hint = false} : vector<2000x64xf32>, vector<64x16xf32>, vector<2000x16xf32> -> vector<2000x16xf32>
    %get3A_168 = arith.constant 0 : index
    %get3A_169 = arith.constant 0 : index
    %get3A_170 = vector.load %arg18[%get3A_168, %get3A_169] : memref<1x16xf32, #tpu.memory_space<vmem>>, vector<1x16xf32>
    %add3A_171 = vector.broadcast %get3A_170 : vector<1x16xf32> to vector<2000x16xf32>
    %add3A_172 = arith.addf %dot_general3A_167, %add3A_171 : vector<2000x16xf32>
    %add3A_173 = arith.addf %add3A_172, %add3A_109 : vector<2000x16xf32>
    %swap3A_174 = arith.constant 0 : index
    %swap3A_175 = arith.constant 0 : index
    %swap3A_176 = vector.load %arg19[%swap3A_174, %swap3A_175] : memref<2000x16xf32, #tpu.memory_space<vmem>>, vector<2000x16xf32>
    tpu.vector_store %arg19[%swap3A_174, %swap3A_175], %add3A_173 {strides = array<i32>} : memref<2000x16xf32, #tpu.memory_space<vmem>>, vector<2000x16xf32>,
    return
  }
  func.func @transform_0(%arg0: i32) -> (i32, i32) {
    %c0_i32 = arith.constant 0 : i32
    %c0_i32_0 = arith.constant 0 : i32
    return %arg0, %c0_i32 : i32, i32
  }
  func.func @transform_1(%arg0: i32) -> (i32, i32) {
    %c0_i32 = arith.constant 0 : i32
    %c0_i32_0 = arith.constant 0 : i32
    return %arg0, %c0_i32 : i32, i32
  }
  func.func @transform_2(%arg0: i32) -> (i32, i32) {
    %c0_i32 = arith.constant 0 : i32
    %c0_i32_0 = arith.constant 0 : i32
    return %arg0, %c0_i32 : i32, i32
  }
  func.func @transform_3(%arg0: i32) -> (i32, i32, i32) {
    %c0_i32 = arith.constant 0 : i32
    %c0_i32_0 = arith.constant 0 : i32
    %c0_i32_1 = arith.constant 0 : i32
    return %arg0, %c0_i32, %c0_i32_0 : i32, i32, i32
  }
  func.func @transform_4(%arg0: i32) -> (i32, i32) {
    %c0_i32 = arith.constant 0 : i32
    %c0_i32_0 = arith.constant 0 : i32
    %c0_i32_1 = arith.constant 0 : i32
    return %c0_i32, %c0_i32_0 : i32, i32
  }
  func.func @transform_5(%arg0: i32) -> (i32, i32) {
    %c0_i32 = arith.constant 0 : i32
    %c0_i32_0 = arith.constant 0 : i32
    %c0_i32_1 = arith.constant 0 : i32
    return %c0_i32, %c0_i32_0 : i32, i32
  }
  func.func @transform_6(%arg0: i32) -> (i32, i32) {
    %c0_i32 = arith.constant 0 : i32
    %c0_i32_0 = arith.constant 0 : i32
    %c0_i32_1 = arith.constant 0 : i32
    return %c0_i32, %c0_i32_0 : i32, i32
  }
  func.func @transform_7(%arg0: i32) -> (i32, i32) {
    %c0_i32 = arith.constant 0 : i32
    %c0_i32_0 = arith.constant 0 : i32
    %c0_i32_1 = arith.constant 0 : i32
    return %c0_i32, %c0_i32_0 : i32, i32
  }
  func.func @transform_8(%arg0: i32) -> (i32, i32) {
    %c0_i32 = arith.constant 0 : i32
    %c0_i32_0 = arith.constant 0 : i32
    %c0_i32_1 = arith.constant 0 : i32
    return %c0_i32, %c0_i32_0 : i32, i32
  }
  func.func @transform_9(%arg0: i32) -> (i32, i32) {
    %c0_i32 = arith.constant 0 : i32
    %c0_i32_0 = arith.constant 0 : i32
    %c0_i32_1 = arith.constant 0 : i32
    return %c0_i32, %c0_i32_0 : i32, i32
  }
  func.func @transform_10(%arg0: i32) -> (i32, i32) {
    %c0_i32 = arith.constant 0 : i32
    %c0_i32_0 = arith.constant 0 : i32
    %c0_i32_1 = arith.constant 0 : i32
    return %c0_i32, %c0_i32_0 : i32, i32
  }
  func.func @transform_11(%arg0: i32) -> (i32, i32) {
    %c0_i32 = arith.constant 0 : i32
    %c0_i32_0 = arith.constant 0 : i32
    %c0_i32_1 = arith.constant 0 : i32
    return %c0_i32, %c0_i32_0 : i32, i32
  }
  func.func @transform_12(%arg0: i32) -> (i32, i32) {
    %c0_i32 = arith.constant 0 : i32
    %c0_i32_0 = arith.constant 0 : i32
    %c0_i32_1 = arith.constant 0 : i32
    return %c0_i32, %c0_i32_0 : i32, i32
  }
  func.func @transform_13(%arg0: i32) -> (i32, i32) {
    %c0_i32 = arith.constant 0 : i32
    %c0_i32_0 = arith.constant 0 : i32
    %c0_i32_1 = arith.constant 0 : i32
    return %c0_i32, %c0_i32_0 : i32, i32
  }
  func.func @transform_14(%arg0: i32) -> (i32, i32) {
    %c0_i32 = arith.constant 0 : i32
    %c0_i32_0 = arith.constant 0 : i32
    %c0_i32_1 = arith.constant 0 : i32
    return %c0_i32, %c0_i32_0 : i32, i32
  }
  func.func @transform_15(%arg0: i32) -> (i32, i32) {
    %c0_i32 = arith.constant 0 : i32
    %c0_i32_0 = arith.constant 0 : i32
    %c0_i32_1 = arith.constant 0 : i32
    return %c0_i32, %c0_i32_0 : i32, i32
  }
  func.func @transform_16(%arg0: i32) -> (i32, i32) {
    %c0_i32 = arith.constant 0 : i32
    %c0_i32_0 = arith.constant 0 : i32
    %c0_i32_1 = arith.constant 0 : i32
    return %c0_i32, %c0_i32_0 : i32, i32
  }
  func.func @transform_17(%arg0: i32) -> (i32, i32) {
    %c0_i32 = arith.constant 0 : i32
    %c0_i32_0 = arith.constant 0 : i32
    %c0_i32_1 = arith.constant 0 : i32
    return %c0_i32, %c0_i32_0 : i32, i32
  }
  func.func @transform_18(%arg0: i32) -> (i32, i32) {
    %c0_i32 = arith.constant 0 : i32
    %c0_i32_0 = arith.constant 0 : i32
    return %arg0, %c0_i32 : i32, i32
  }
  func.func @transform_19(%arg0: i32) -> (i32, i32) {
    %c0_i32 = arith.constant 0 : i32
    %c0_i32_0 = arith.constant 0 : i32
    return %arg0, %c0_i32 : i32, i32
  }
  func.func @transform_20(%arg0: i32) -> (i32, i32, i32) {
    %c0_i32 = arith.constant 0 : i32
    %c0_i32_0 = arith.constant 0 : i32
    %c0_i32_1 = arith.constant 0 : i32
    return %arg0, %c0_i32, %c0_i32_0 : i32, i32, i32
  }
}

module attributes {stable_mosaic.version = 14 : i64} {
  func.func @_tc2b_body(%arg0: i32, %arg1: i32, %arg2: memref<1280x256xf32, #tpu.memory_space<vmem>>, %arg3: memref<1280x256xf32, #tpu.memory_space<vmem>>, %arg4: memref<1280x256xf32, #tpu.memory_space<vmem>>) attributes {dimension_semantics = [#tpu.dimension_semantics<arbitrary>, #tpu.dimension_semantics<arbitrary>], iteration_bounds = array<i64: 8, 32>, scalar_prefetch = 0 : i64, scratch_operands = 1 : i64, tpu.core_type = #tpu.core_type<tc>, window_params = [{transform_indices = @transform_0, window_bounds = array<i64: 1280, 256>}, {transform_indices = @transform_1, window_bounds = array<i64: 1280, 256>}]} {
    %eq3A = arith.constant 0 : i32
    %eq3A_0 = arith.cmpi eq, %arg1, %eq3A : i32
    %convert_element_type3A = arith.extui %eq3A_0 : i1 to i32
    %cond3A = arith.constant 0 : i32
    %cond3A_1 = arith.cmpi ne, %convert_element_type3A, %cond3A : i32
    scf.if %cond3A_1 {
      %get3A = arith.constant 0 : index
      %get3A_11 = arith.constant 0 : index
      %get3A_12 = vector.load %arg2[%get3A, %get3A_11] : memref<1280x256xf32, #tpu.memory_space<vmem>>, vector<1280x256xf32>
      %swap3A = arith.constant 0 : index
      %swap3A_13 = arith.constant 0 : index
      %swap3A_14 = vector.load %arg4[%swap3A, %swap3A_13] : memref<1280x256xf32, #tpu.memory_space<vmem>>, vector<1280x256xf32>
      tpu.vector_store %arg4[%swap3A, %swap3A_13], %get3A_12 {strides = array<i32>} : memref<1280x256xf32, #tpu.memory_space<vmem>>, vector<1280x256xf32>,
    } else {
    }
    %gt3A = arith.constant 0 : i32
    %gt3A_2 = arith.cmpi sgt, %arg1, %gt3A : i32
    %convert_element_type3A_3 = arith.extui %gt3A_2 : i1 to i32
    %cond3A_4 = arith.constant 0 : i32
    %cond3A_5 = arith.cmpi ne, %convert_element_type3A_3, %cond3A_4 : i32
    scf.if %cond3A_5 {
      %get3A = arith.constant 0 : index
      %get3A_11 = arith.constant 0 : index
      %get3A_12 = vector.load %arg4[%get3A, %get3A_11] : memref<1280x256xf32, #tpu.memory_space<vmem>>, vector<1280x256xf32>
      %get3A_13 = arith.constant 0 : index
      %get3A_14 = arith.constant 0 : index
      %get3A_15 = vector.load %arg2[%get3A_13, %get3A_14] : memref<1280x256xf32, #tpu.memory_space<vmem>>, vector<1280x256xf32>
      %add3A = arith.addf %get3A_12, %get3A_15 : vector<1280x256xf32>
      %swap3A = arith.constant 0 : index
      %swap3A_16 = arith.constant 0 : index
      %swap3A_17 = vector.load %arg4[%swap3A, %swap3A_16] : memref<1280x256xf32, #tpu.memory_space<vmem>>, vector<1280x256xf32>
      tpu.vector_store %arg4[%swap3A, %swap3A_16], %add3A {strides = array<i32>} : memref<1280x256xf32, #tpu.memory_space<vmem>>, vector<1280x256xf32>,
    } else {
    }
    %eq3A_6 = arith.constant 31 : i32
    %eq3A_7 = arith.cmpi eq, %arg1, %eq3A_6 : i32
    %convert_element_type3A_8 = arith.extui %eq3A_7 : i1 to i32
    %cond3A_9 = arith.constant 0 : i32
    %cond3A_10 = arith.cmpi ne, %convert_element_type3A_8, %cond3A_9 : i32
    scf.if %cond3A_10 {
      %get3A = arith.constant 0 : index
      %get3A_11 = arith.constant 0 : index
      %get3A_12 = vector.load %arg4[%get3A, %get3A_11] : memref<1280x256xf32, #tpu.memory_space<vmem>>, vector<1280x256xf32>
      %swap3A = arith.constant 0 : index
      %swap3A_13 = arith.constant 0 : index
      %swap3A_14 = vector.load %arg3[%swap3A, %swap3A_13] : memref<1280x256xf32, #tpu.memory_space<vmem>>, vector<1280x256xf32>
      tpu.vector_store %arg3[%swap3A, %swap3A_13], %get3A_12 {strides = array<i32>} : memref<1280x256xf32, #tpu.memory_space<vmem>>, vector<1280x256xf32>,
    } else {
    }
    return
  }
  func.func @transform_0(%arg0: i32, %arg1: i32) -> (i32, i32) {
    %mul3A = arith.constant 9 : i32
    %mul3A_0 = arith.muli %arg1, %mul3A : i32
    %add3A = arith.addi %mul3A_0, %arg0 : i32
    %c0_i32 = arith.constant 0 : i32
    %c0_i32_1 = arith.constant 0 : i32
    return %add3A, %c0_i32 : i32, i32
  }
  func.func @transform_1(%arg0: i32, %arg1: i32) -> (i32, i32) {
    %c0_i32 = arith.constant 0 : i32
    %c0_i32_0 = arith.constant 0 : i32
    return %arg0, %c0_i32 : i32, i32
  }
}

module attributes {stable_mosaic.version = 14 : i64} {
  func.func @_tc3_body(%arg0: i32, %arg1: memref<1280x128xf32, #tpu.memory_space<vmem>>, %arg2: memref<1280x256xf32, #tpu.memory_space<vmem>>, %arg3: memref<128x128xf32, #tpu.memory_space<vmem>>, %arg4: memref<1x128xf32, #tpu.memory_space<vmem>>, %arg5: memref<1x128xf32, #tpu.memory_space<vmem>>, %arg6: memref<1x128xf32, #tpu.memory_space<vmem>>, %arg7: memref<128x512xf32, #tpu.memory_space<vmem>>, %arg8: memref<1x512xf32, #tpu.memory_space<vmem>>, %arg9: memref<512x128xf32, #tpu.memory_space<vmem>>, %arg10: memref<1x128xf32, #tpu.memory_space<vmem>>, %arg11: memref<1280x128xf32, #tpu.memory_space<vmem>>) attributes {dimension_semantics = [#tpu.dimension_semantics<arbitrary>], iteration_bounds = array<i64: 8>, scalar_prefetch = 0 : i64, scratch_operands = 0 : i64, tpu.core_type = #tpu.core_type<tc>, window_params = [{transform_indices = @transform_0, window_bounds = array<i64: 1280, 128>}, {transform_indices = @transform_1, window_bounds = array<i64: 1280, 256>}, {pipeline_mode = #tpu.pipeline_mode<synchronous>, transform_indices = @transform_2, window_bounds = array<i64: 128, 128>}, {pipeline_mode = #tpu.pipeline_mode<synchronous>, transform_indices = @transform_3, window_bounds = array<i64: 1, 128>}, {pipeline_mode = #tpu.pipeline_mode<synchronous>, transform_indices = @transform_4, window_bounds = array<i64: 1, 128>}, {pipeline_mode = #tpu.pipeline_mode<synchronous>, transform_indices = @transform_5, window_bounds = array<i64: 1, 128>}, {pipeline_mode = #tpu.pipeline_mode<synchronous>, transform_indices = @transform_6, window_bounds = array<i64: 128, 512>}, {pipeline_mode = #tpu.pipeline_mode<synchronous>, transform_indices = @transform_7, window_bounds = array<i64: 1, 512>}, {pipeline_mode = #tpu.pipeline_mode<synchronous>, transform_indices = @transform_8, window_bounds = array<i64: 512, 128>}, {pipeline_mode = #tpu.pipeline_mode<synchronous>, transform_indices = @transform_9, window_bounds = array<i64: 1, 128>}, {transform_indices = @transform_10, window_bounds = array<i64: 1280, 128>}]} {
    %get3A = arith.constant 0 : index
    %get3A_0 = arith.constant 0 : index
    %get3A_1 = vector.load %arg2[%get3A, %get3A_0] : memref<1280x256xf32, #tpu.memory_space<vmem>>, vector<1280x128xf32>
    %get3A_2 = arith.constant 0 : index
    %get3A_3 = arith.constant 128 : index
    %get3A_4 = vector.load %arg2[%get3A_2, %get3A_3] : memref<1280x256xf32, #tpu.memory_space<vmem>>, vector<1280x128xf32>
    %add3A = arith.constant 9.99999971E-10 : f32
    %add3A_5 = vector.broadcast %add3A : f32 to vector<1280x128xf32>
    %add3A_6 = arith.addf %get3A_4, %add3A_5 : vector<1280x128xf32>
    %div3A = arith.divf %get3A_1, %add3A_6 : vector<1280x128xf32>
    %get3A_7 = arith.constant 0 : index
    %get3A_8 = arith.constant 0 : index
    %get3A_9 = vector.load %arg3[%get3A_7, %get3A_8] : memref<128x128xf32, #tpu.memory_space<vmem>>, vector<128x128xf32>
    %dot_general3A = arith.constant dense<0.000000e+00> : vector<1280x128xf32>
    %dot_general3A_10 = tpu.matmul %div3A, %get3A_9, %dot_general3A {dimension_numbers = #tpu.dot_dimension_numbers<[1], [0], [0], [1], [0, 0, 1, 1], [], []>, transpose_lhs_hint = false} : vector<1280x128xf32>, vector<128x128xf32>, vector<1280x128xf32> -> vector<1280x128xf32>
    %get3A_11 = arith.constant 0 : index
    %get3A_12 = arith.constant 0 : index
    %get3A_13 = vector.load %arg4[%get3A_11, %get3A_12] : memref<1x128xf32, #tpu.memory_space<vmem>>, vector<1x128xf32>
    %add3A_14 = vector.broadcast %get3A_13 : vector<1x128xf32> to vector<1280x128xf32>
    %add3A_15 = arith.addf %dot_general3A_10, %add3A_14 : vector<1280x128xf32>
    %get3A_16 = arith.constant 0 : index
    %get3A_17 = arith.constant 0 : index
    %get3A_18 = vector.load %arg1[%get3A_16, %get3A_17] : memref<1280x128xf32, #tpu.memory_space<vmem>>, vector<1280x128xf32>
    %add3A_19 = arith.addf %add3A_15, %get3A_18 : vector<1280x128xf32>
    %get3A_20 = arith.constant 0 : index
    %get3A_21 = arith.constant 0 : index
    %get3A_22 = vector.load %arg5[%get3A_20, %get3A_21] : memref<1x128xf32, #tpu.memory_space<vmem>>, vector<1x128xf32>
    %get3A_23 = arith.constant 0 : index
    %get3A_24 = arith.constant 0 : index
    %get3A_25 = vector.load %arg6[%get3A_23, %get3A_24] : memref<1x128xf32, #tpu.memory_space<vmem>>, vector<1x128xf32>
    %reduce_sum3A = arith.constant dense<0.000000e+00> : vector<1280xf32>
    %reduce_sum3A_26 = vector.multi_reduction <add>, %add3A_19, %reduce_sum3A [1] : vector<1280x128xf32> to vector<1280xf32>
    %broadcast_in_dim3A = vector.shape_cast %reduce_sum3A_26 : vector<1280xf32> to vector<1280x1xf32>
    %div3A_27 = arith.constant 1.280000e+02 : f32
    %div3A_28 = vector.broadcast %div3A_27 : f32 to vector<1280x1xf32>
    %div3A_29 = arith.divf %broadcast_in_dim3A, %div3A_28 : vector<1280x1xf32>
    %sub3A = vector.broadcast %div3A_29 : vector<1280x1xf32> to vector<1280x128xf32>
    %sub3A_30 = arith.subf %add3A_19, %sub3A : vector<1280x128xf32>
    %integer_pow3A = arith.mulf %sub3A_30, %sub3A_30 : vector<1280x128xf32>
    %reduce_sum3A_31 = arith.constant dense<0.000000e+00> : vector<1280xf32>
    %reduce_sum3A_32 = vector.multi_reduction <add>, %integer_pow3A, %reduce_sum3A_31 [1] : vector<1280x128xf32> to vector<1280xf32>
    %broadcast_in_dim3A_33 = vector.shape_cast %reduce_sum3A_32 : vector<1280xf32> to vector<1280x1xf32>
    %div3A_34 = arith.constant 1.280000e+02 : f32
    %div3A_35 = vector.broadcast %div3A_34 : f32 to vector<1280x1xf32>
    %div3A_36 = arith.divf %broadcast_in_dim3A_33, %div3A_35 : vector<1280x1xf32>
    %sub3A_37 = vector.broadcast %div3A_29 : vector<1280x1xf32> to vector<1280x128xf32>
    %sub3A_38 = arith.subf %add3A_19, %sub3A_37 : vector<1280x128xf32>
    %add3A_39 = arith.constant 9.99999974E-6 : f32
    %add3A_40 = vector.broadcast %add3A_39 : f32 to vector<1280x1xf32>
    %add3A_41 = arith.addf %div3A_36, %add3A_40 : vector<1280x1xf32>
    %sqrt3A = math.sqrt %add3A_41 : vector<1280x1xf32>
    %div3A_42 = vector.broadcast %sqrt3A : vector<1280x1xf32> to vector<1280x128xf32>
    %div3A_43 = arith.divf %sub3A_38, %div3A_42 : vector<1280x128xf32>
    %mul3A = vector.broadcast %get3A_22 : vector<1x128xf32> to vector<1280x128xf32>
    %mul3A_44 = arith.mulf %div3A_43, %mul3A : vector<1280x128xf32>
    %add3A_45 = vector.broadcast %get3A_25 : vector<1x128xf32> to vector<1280x128xf32>
    %add3A_46 = arith.addf %mul3A_44, %add3A_45 : vector<1280x128xf32>
    %get3A_47 = arith.constant 0 : index
    %get3A_48 = arith.constant 0 : index
    %get3A_49 = vector.load %arg7[%get3A_47, %get3A_48] : memref<128x512xf32, #tpu.memory_space<vmem>>, vector<128x512xf32>
    %dot_general3A_50 = arith.constant dense<0.000000e+00> : vector<1280x512xf32>
    %dot_general3A_51 = tpu.matmul %add3A_46, %get3A_49, %dot_general3A_50 {dimension_numbers = #tpu.dot_dimension_numbers<[1], [0], [0], [1], [0, 0, 1, 1], [], []>, transpose_lhs_hint = false} : vector<1280x128xf32>, vector<128x512xf32>, vector<1280x512xf32> -> vector<1280x512xf32>
    %get3A_52 = arith.constant 0 : index
    %get3A_53 = arith.constant 0 : index
    %get3A_54 = vector.load %arg8[%get3A_52, %get3A_53] : memref<1x512xf32, #tpu.memory_space<vmem>>, vector<1x512xf32>
    %add3A_55 = vector.broadcast %get3A_54 : vector<1x512xf32> to vector<1280x512xf32>
    %add3A_56 = arith.addf %dot_general3A_51, %add3A_55 : vector<1280x512xf32>
    %mul3A_57 = arith.constant 5.000000e-01 : f32
    %mul3A_58 = vector.broadcast %mul3A_57 : f32 to vector<1280x512xf32>
    %mul3A_59 = arith.mulf %add3A_56, %mul3A_58 : vector<1280x512xf32>
    %mul3A_60 = arith.constant 0.707106769 : f32
    %mul3A_61 = vector.broadcast %mul3A_60 : f32 to vector<1280x512xf32>
    %mul3A_62 = arith.mulf %add3A_56, %mul3A_61 : vector<1280x512xf32>
    %erf3A = math.erf %mul3A_62 : vector<1280x512xf32>
    %add3A_63 = arith.constant 1.000000e+00 : f32
    %add3A_64 = vector.broadcast %add3A_63 : f32 to vector<1280x512xf32>
    %add3A_65 = arith.addf %add3A_64, %erf3A : vector<1280x512xf32>
    %mul3A_66 = arith.mulf %mul3A_59, %add3A_65 : vector<1280x512xf32>
    %get3A_67 = arith.constant 0 : index
    %get3A_68 = arith.constant 0 : index
    %get3A_69 = vector.load %arg9[%get3A_67, %get3A_68] : memref<512x128xf32, #tpu.memory_space<vmem>>, vector<512x128xf32>
    %dot_general3A_70 = arith.constant dense<0.000000e+00> : vector<1280x128xf32>
    %dot_general3A_71 = tpu.matmul %mul3A_66, %get3A_69, %dot_general3A_70 {dimension_numbers = #tpu.dot_dimension_numbers<[1], [0], [0], [1], [0, 0, 1, 1], [], []>, transpose_lhs_hint = false} : vector<1280x512xf32>, vector<512x128xf32>, vector<1280x128xf32> -> vector<1280x128xf32>
    %get3A_72 = arith.constant 0 : index
    %get3A_73 = arith.constant 0 : index
    %get3A_74 = vector.load %arg10[%get3A_72, %get3A_73] : memref<1x128xf32, #tpu.memory_space<vmem>>, vector<1x128xf32>
    %add3A_75 = vector.broadcast %get3A_74 : vector<1x128xf32> to vector<1280x128xf32>
    %add3A_76 = arith.addf %dot_general3A_71, %add3A_75 : vector<1280x128xf32>
    %add3A_77 = arith.addf %add3A_76, %add3A_19 : vector<1280x128xf32>
    %swap3A = arith.constant 0 : index
    %swap3A_78 = arith.constant 0 : index
    %swap3A_79 = vector.load %arg11[%swap3A, %swap3A_78] : memref<1280x128xf32, #tpu.memory_space<vmem>>, vector<1280x128xf32>
    tpu.vector_store %arg11[%swap3A, %swap3A_78], %add3A_77 {strides = array<i32>} : memref<1280x128xf32, #tpu.memory_space<vmem>>, vector<1280x128xf32>,
    return
  }
  func.func @transform_0(%arg0: i32) -> (i32, i32) {
    %c0_i32 = arith.constant 0 : i32
    %c0_i32_0 = arith.constant 0 : i32
    return %arg0, %c0_i32 : i32, i32
  }
  func.func @transform_1(%arg0: i32) -> (i32, i32) {
    %c0_i32 = arith.constant 0 : i32
    %c0_i32_0 = arith.constant 0 : i32
    return %arg0, %c0_i32 : i32, i32
  }
  func.func @transform_2(%arg0: i32) -> (i32, i32) {
    %c0_i32 = arith.constant 0 : i32
    %c0_i32_0 = arith.constant 0 : i32
    %c0_i32_1 = arith.constant 0 : i32
    return %c0_i32, %c0_i32_0 : i32, i32
  }
  func.func @transform_3(%arg0: i32) -> (i32, i32) {
    %c0_i32 = arith.constant 0 : i32
    %c0_i32_0 = arith.constant 0 : i32
    %c0_i32_1 = arith.constant 0 : i32
    return %c0_i32, %c0_i32_0 : i32, i32
  }
  func.func @transform_4(%arg0: i32) -> (i32, i32) {
    %c0_i32 = arith.constant 0 : i32
    %c0_i32_0 = arith.constant 0 : i32
    %c0_i32_1 = arith.constant 0 : i32
    return %c0_i32, %c0_i32_0 : i32, i32
  }
  func.func @transform_5(%arg0: i32) -> (i32, i32) {
    %c0_i32 = arith.constant 0 : i32
    %c0_i32_0 = arith.constant 0 : i32
    %c0_i32_1 = arith.constant 0 : i32
    return %c0_i32, %c0_i32_0 : i32, i32
  }
  func.func @transform_6(%arg0: i32) -> (i32, i32) {
    %c0_i32 = arith.constant 0 : i32
    %c0_i32_0 = arith.constant 0 : i32
    %c0_i32_1 = arith.constant 0 : i32
    return %c0_i32, %c0_i32_0 : i32, i32
  }
  func.func @transform_7(%arg0: i32) -> (i32, i32) {
    %c0_i32 = arith.constant 0 : i32
    %c0_i32_0 = arith.constant 0 : i32
    %c0_i32_1 = arith.constant 0 : i32
    return %c0_i32, %c0_i32_0 : i32, i32
  }
  func.func @transform_8(%arg0: i32) -> (i32, i32) {
    %c0_i32 = arith.constant 0 : i32
    %c0_i32_0 = arith.constant 0 : i32
    %c0_i32_1 = arith.constant 0 : i32
    return %c0_i32, %c0_i32_0 : i32, i32
  }
  func.func @transform_9(%arg0: i32) -> (i32, i32) {
    %c0_i32 = arith.constant 0 : i32
    %c0_i32_0 = arith.constant 0 : i32
    %c0_i32_1 = arith.constant 0 : i32
    return %c0_i32, %c0_i32_0 : i32, i32
  }
  func.func @transform_10(%arg0: i32) -> (i32, i32) {
    %c0_i32 = arith.constant 0 : i32
    %c0_i32_0 = arith.constant 0 : i32
    return %arg0, %c0_i32 : i32, i32
  }
}

</mosaic_0001>

<sc_bundles>
// kernel: kernel.11.cloned.1.call-start
scs
__scs_entry_jumppad:
0x0: {  	(pc) =	sbr.rel $0x88, $3  }
0x1: {  	(tag) =	ssettag $0x0;
	lr =	simm.s32 $0x1  }
0x2: {  	[smem:$0x3F82] =	sst lr;
	_ =	strace $0xD0000000  }
0x3: {  	_ = 	snop  }
0x4: {  	_ = 	snop  }
0x5: {  	_ = 	snop  }
0x6: {  	_ = 	snop  }
0x7: {  	_ = 	snop  }
__scs_overlays_trampoline_lowered:
0x8: {  	[smem:$0x3F91] =	sst s0  }
0x9: {  	[smem:$0x3F92] =	sst s1  }
0xa: {  	[smem:$0x3F93] =	sst s2  }
0xb: {  	[smem:$0x3F94] =	sst s3  }
0xc: {  	[smem:$0x3F95] =	sst s4  }
0xd: {  	[smem:$0x3F96] =	sst s5  }
0xe: {  	[smem:$0x3F97] =	sst s6  }
0xf: {  	[smem:$0x3F98] =	sst s7  }
0x10: {  	[smem:$0x3F99] =	sst s8  }
0x11: {  	[smem:$0x3F9A] =	sst s9;
	s0 =	simm.s32 @!p0 $0x0  }
0x12: {  	s1 =	sld [smem:$0x3F80];
	s0 =	simm.s32 @p0 $0x1  }
0x13: {  	[smem:$0x3F9B] =	sst s0;
	s0 =	simm.s32 @!p1 $0x0  }
0x14: {  	s2 =	sld [smem:$0x3F7F];
	s0 =	simm.s32 @p1 $0x1  }
0x15: {  	[smem:$0x3F9C] =	sst s0;
	s0 =	simm.s32 @!p2 $0x0  }
0x16: {  	s3 =	sld [smem:$0x3FDB];
	s0 =	simm.s32 @p2 $0x1  }
0x17: {  	s4 =	simm.s32 $0x1BF5;
	[smem:$0x3F9E] =	sst s0  }
0x18: {  	s0 =	sld [smem:$0x3F81];
	_ =	swait.ge [sflag:s4], $0x0  }
0x19: {  	s7 =	sld [smem:$0x3F82]  }
0x1a: {  	s8 =	sadd.s32 $0xFFFFE003, lr  }
0x1b: {  	s9 =	sadd.s32 $0xFFFFFEF7, lr;
	s5 =	simm.s32 $0xFFFFFFFF;
	p2 =	slt.u32 s8, $0xFFFFF086  }
0x1c: {  	p1 =	slt.u32 s9, $0xF7A;
	s5 =	simm.s32 @!p2 $0x0  }
0x1d: {  	s5 =	simm.s32 @p1 $0x1;
	p0 =	seq.s32 s7, s2  }
0x1e: {  	s7 =	smul.u32 @!p0 $0xF7A, s2;
	p2 =	seq.s32 @!p0 s5, $0x0  }
0x1f: {  	s9 =	smul.u32 $0xF7A, s1;
	s8 =	simm.s32 @!p0 $0x1BF5;
	p2 =	por !p2, p0  }
0x20: {  	[sflag:s8] =	ssyncset.s32 @!p0 $0xFFFFF086;
	s6 =	sadd.s32 @!p0 s3, s7;
	s7 =	simm.s32 @!p0 $0x108  }
0x21: {  	s3 =	sadd.s32 s3, s9;
	s6 =	sadd.s32 @!p0 $0x88, s6;
	s7 =	simm.s32 @p2 $0x1082  }
0x22: {  	[simem:s7], [sflag:s8] =	dma.local @!p0 [hbm:s6], $0xF7A  }
0x23: {  	s9 =	sor.u32 $0xD0000000, s2;
	s6 =	simm.s32 $0x108;
	_ =	swait.ge @!p0 [sflag:s8], $0x0  }
0x24: {  	s3 =	sadd.s32 $0x88, s3;
	s6 =	simm.s32 @!p1 $0x1082;
	[sflag:s4] =	ssyncset.s32 $0xFFFFF086  }
0x25: {  	[simem:s6], [sflag:s4] =	dma.local [hbm:s3], $0xF7A  }
0x26: {  	[smem:$0x3F82] =	sst s1;
	(tag) =	ssettag s2;
	_ =	strace s9  }
0x27: {  	s1 =	sld [smem:$0x3F92]  }
0x28: {  	s2 =	sld [smem:$0x3F93]  }
0x29: {  	s4 =	sld [smem:$0x3F95]  }
0x2a: {  	p0 =	seq.s32 s5, $0x0;
	s5 =	sld [smem:$0x3F96]  }
0x2b: {  	s6 =	sld [smem:$0x3F97]  }
0x2c: {  	s7 =	sld [smem:$0x3F98]  }
0x2d: {  	s3 =	simm.s32 $0x108;
	s8 =	sld [smem:$0x3F99]  }
0x2e: {  	s3 =	simm.s32 @!p0 $0x1082;
	s9 =	sld [smem:$0x3F9A]  }
0x2f: {  	lr =	sadd.s32 s0, s3;
	s0 =	sld [smem:$0x3F91]  }
0x30: {  	s3 =	sld [smem:$0x3F94]  }
0x31: {  	[smem:$0x3F9D] =	sst s10  }
0x32: {  	s10 =	sld [smem:$0x3F9B];
	_ =	sdelay $0x3  }
0x33: {  	p0 =	seq.s32 s10, $0x1;
	s10 =	sld [smem:$0x3F9D];
	_ =	sdelay $0x3  }
0x34: {  	[smem:$0x3F9D] =	sst s10  }
0x35: {  	s10 =	sld [smem:$0x3F9C];
	_ =	sdelay $0x3  }
0x36: {  	p1 =	seq.s32 s10, $0x1;
	s10 =	sld [smem:$0x3F9D];
	_ =	sdelay $0x3  }
0x37: {  	[smem:$0x3F9D] =	sst s10  }
0x38: {  	s10 =	sld [smem:$0x3F9E]  }
0x39: {  	_ = 	snop;
	(pc) =	sbr.ind lr, $3  }
0x3a: {  	_ = 	snop  }
0x3b: {  	_ = 	snop  }
0x3c: {  	p2 =	seq.s32 s10, $0x1;
	s10 =	sld [smem:$0x3F9D]  }
0x3d: {  	_ =	shalt  }
0x3e: {  	_ =	shalt  }
0x3f: {  	_ =	shalt  }
0x40: {  	_ =	shalt  }
0x41: {  	_ =	shalt  }
0x42: {  	_ =	shalt  }
0x43: {  	_ =	shalt  }
0x44: {  	_ =	shalt  }
0x45: {  	_ =	shalt  }
0x46: {  	_ =	shalt  }
0x47: {  	_ =	shalt  }
0x48: {  	_ =	shalt  }
0x49: {  	_ =	shalt  }
0x4a: {  	_ =	shalt  }
0x4b: {  	_ =	shalt  }
0x4c: {  	_ =	shalt  }
0x4d: {  	_ =	shalt  }
0x4e: {  	_ =	shalt  }
0x4f: {  	_ =	shalt  }
0x50: {  	_ =	shalt  }
0x51: {  	_ =	shalt  }
0x52: {  	_ =	shalt  }
0x53: {  	_ =	shalt  }
0x54: {  	_ =	shalt  }
0x55: {  	_ =	shalt  }
0x56: {  	_ =	shalt  }
0x57: {  	_ =	shalt  }
0x58: {  	_ =	shalt  }
0x59: {  	_ =	shalt  }
0x5a: {  	_ =	shalt  }
0x5b: {  	_ =	shalt  }
0x5c: {  	_ =	shalt  }
0x5d: {  	_ =	shalt  }
0x5e: {  	_ =	shalt  }
0x5f: {  	_ =	shalt  }
0x60: {  	_ =	shalt  }
0x61: {  	_ =	shalt  }
0x62: {  	_ =	shalt  }
0x63: {  	_ =	shalt  }
0x64: {  	_ =	shalt  }
0x65: {  	_ =	shalt  }
0x66: {  	_ =	shalt  }
0x67: {  	_ =	shalt  }
0x68: {  	_ =	shalt  }
0x69: {  	_ =	shalt  }
0x6a: {  	_ =	shalt  }
0x6b: {  	_ =	shalt  }
0x6c: {  	_ =	shalt  }
0x6d: {  	_ =	shalt  }
0x6e: {  	_ =	shalt  }
0x6f: {  	_ =	shalt  }
0x70: {  	_ =	shalt  }
0x71: {  	_ =	shalt  }
0x72: {  	_ =	shalt  }
0x73: {  	_ =	shalt  }
0x74: {  	_ =	shalt  }
0x75: {  	_ =	shalt  }
0x76: {  	_ =	shalt  }
0x77: {  	_ =	shalt  }
0x78: {  	_ =	shalt  }
0x79: {  	_ =	shalt  }
0x7a: {  	_ =	shalt  }
0x7b: {  	_ =	shalt  }
0x7c: {  	_ =	shalt  }
0x7d: {  	_ =	shalt  }
0x7e: {  	_ =	shalt  }
0x7f: {  	_ =	shalt  }
0x80: {  	_ =	shalt  }
0x81: {  	_ =	shalt  }
0x82: {  	_ =	shalt  }
0x83: {  	_ =	shalt  }
0x84: {  	_ =	shalt  }
0x85: {  	_ =	shalt  }
0x86: {  	_ =	shalt  }
0x87: {  	_ =	shalt  }
.Lfunc_end0:
.L_simem_size_0:
called_computation.1_lowered:
.L_overlay_start_0:
0x88: {  	s2 =	sld [smem:$0x3FD9]  }
0x89: {  	s3 =	sld [smem:$0x3FFE];
	_ =	sdelay $0x1  }
0x8a: {  	s1 =	srdreg.scid  }
0x8b: {  	s0 =	sand.u32 $0x1, s1  }
0x8c: {  	s14 =	sshll.u32 s0, $0xA;
	s2 =	sadd.s32 s3, s2  }
0x8d: {  	s2 =	sadd.s32 s2, s14  }
0x8e: {  	[smem:$0x3FA9] =	sst s2  }
0x8f: {  	_ = 	snop  }
0x90: {  	s2 =	sld [smem:$0x3FD0];
	_ =	sdelay $0x2  }
0x91: {  	s15 =	simm.s32 $0xA;
	s4 =	simm.s32 $0x10  }
0x92: {  	[smem:s4], [sflag:s15] =	dma.local [hbm:s2], $0x1  }
0x93: {  	_ =	swait.eq [sflag:s15], $0x1  }
0x94: {  	[sflag:s15] =	ssyncset.done $0x0  }
0x95: {  	[sflag:s15] =	ssyncadd.s32 $0xFFFFFFFF  }
0x96: {  	s16 =	sld [smem:$0x10];
	(tm) =	ssettm $0x1  }
0x97: {  	s17 =	sld [smem:$0x3FFB];
	_ =	sdelay $0x3  }
0x98: {  	_ =	strace s17  }
0x99: {  	s3 =	sld [smem:$0x3FFC];
	_ =	sdelay $0x3  }
0x9a: {  	_ =	strace s3  }
0x9b: {  	s3 =	sld [smem:$0x3FFD];
	_ =	sdelay $0x3  }
0x9c: {  	_ =	strace s3  }
0x9d: {  	_ =	strace $0x8FFFFFFF  }
0x9e: {  	s18 =	sld [smem:$0x3FDB];
	_ =	sdelay $0x1  }
0x9f: {  	s19 =	simm.s32 $_scs_section_size  }
0xa0: {  	s5 =	simm.s32 $_size__tile_overlayer_lowered;
	s6 =	simm.s32 $_tile_overlayer_lowered  }
0xa1: {  	s22 =	simm.s32 $0x1BFF;
	s21 =	sshll.u32 s6, $0x1;
	s3 =	sadd.s32 s19, s18  }
0xa2: {  	s7 =	simm.s32 $0x0;
	s20 =	sshll.u32 s5, $0x1;
	s5 =	sadd.s32 s21, s3  }
0xa3: {  	[timem:s7], [sflag:s22] =	dma.local [hbm:s5], s20  }
0xa4: {  	_ =	swait.ge [sflag:s22], s20  }
0xa5: {  	s4 =	ssub.s32 $0x0, s20;
	[sflag:s22] =	ssyncset.done $0x0  }
0xa6: {  	[sflag:s22] =	ssyncadd.s32 s4;
	_ =	sdelay $0x1  }
0xa7: {  	s23 =	simm.s32 $0x1B8B  }
0xa8: {  	_ =	swait.ge [sflag:s23], $0x1  }
0xa9: {  	[sflag:s23] =	ssyncset.done $0x0  }
0xaa: {  	s25 =	simm.s32 $0x1B8E;
	s24 =	sld [smem:$0x3FFE];
	[sflag:s23] =	ssyncadd.s32 $0xFFFFFFFF  }
0xab: {  	s26 =	simm.s32 $execute0_lowered;
	[smem:$0x3FD2] =	sst s25  }
0xac: {  	s5 =	sshll.u32 s26, $0x1;
	_ =	strace $0x80000049;
	[dreg:$0x1] =	wrdreg $0xFFFFFFFF  }
0xad: {  	s28 =	simm.s32 $_size_execute0_lowered;
	s3 =	sadd.s32 s3, s5;
	[dreg:$0x0] =	wrdreg $0x0  }
0xae: {  	s5 =	sshll.u32 s28, $0x1;
	[dreg:$0x2] =	wrdreg s3  }
0xaf: {  	[dreg:$0x3] =	wrdreg s5  }
0xb0: {  	[dreg:$0x4] =	wrdreg $0xC0  }
0xb1: {  	_ =	task [dreg:s7], $0x5FFFF  }
0xb2: {  	[dreg:$0x1] =	wrdreg $0xFFFFFFFF  }
0xb3: {  	[dreg:$0x0] =	wrdreg $0x60  }
0xb4: {  	[dreg:$0x2] =	wrdreg s16  }
0xb5: {  	[dreg:$0x3] =	wrdreg s24  }
0xb6: {  	[dreg:$0x4] =	wrdreg $0x9  }
0xb7: {  	_ =	task.clear_ibuf [dreg:s7], $0x5FFFF;
	_ =	strace $0x90000049  }
0xb8: {  	s29 =	simm.s32 $0x9;
	_ =	strace $0x8000004B  }
0xb9: {  	_ =	swait.ge [sflag:s29], $0x1  }
0xba: {  	[sflag:s29] =	ssyncadd.s32 $0xFFFFFFFF  }
0xbb: {  	_ =	strace $0x9000004B  }
0xbc: {  	_ =	sfence  }
0xbd: {  	s30 =	sld [smem:$0x0];
	_ =	sdelay $0x2  }
0xbe: {  	s31 =	sshll.u32 s1, $0xD;
	s1 =	sshrl.u32 s1, $0x2  }
0xbf: {  	s3 =	sand.u32 $0x4000, s31;
	s1 =	sadd.s32 s1, s30  }
0xc0: {  	s0 =	sor.u32 s3, s0;
	s1 =	sshll.u32 s1, $0x11  }
0xc1: {  	s0 =	sor.u32 s1, s0  }
0xc2: {  	s0 =	sadd.s32 $0x8F2B, s0  }
0xc3: {  	[sflag:s0] =	ssyncadd.remote.s32 $0x1  }
0xc4: {  	_ =	sfence.sel $0xFFFF  }
0xc5: {  	[dreg:$0x0] =	wrdreg $0xFFFFFFFF;
	(pc) =	sbr.abs _section_cstart, $3  }
0xc6: {  	[dreg:$0x1] =	wrdreg $0xFFFFFFFF  }
0xc7: {  	_ =	task.clear_ibuf [dreg:s7], $0x2FFFF;
	_ =	strace $0x9FFFFFFF  }
0xc8: {  	(tm) =	ssettm $0x7FFFFFFF  }
0xc9: {  	_ =	shalt  }
tec
execute0_lowered:
.L_overlay_start_1:
0x0: {  	(tag) =	ssettag $0x1  }
0x1: {  	s7 =	rddreg [dreg:$0x0]  }
0x2: {  	s6 =	rddreg [dreg:$0x1]  }
0x3: {  	s2 =	simm.s32 $0x0;
	s3 =	srdreg.scid;
	s0 =	stileid.u32  }
0x4: {  	s14 =	simm.s32 $0x7780;
	s15 =	simm.s32 $0x7F80;
	s16 =	simm.s32 $0x8780  }
0x5: {  	s17 =	simm.s32 $0x8F80;
	s18 =	simm.s32 $0x9780;
	s19 =	simm.s32 $0x9F80  }
0x6: {  	s21 =	simm.s32 $0xAF80;
	s22 =	simm.s32 $0xB780;
	s23 =	simm.s32 $0xBF80  }
0x7: {  	s24 =	simm.s32 $0x1;
	s25 =	simm.s32 $0x0;
	[smem:$0x7FF] =	sst s2  }
0x8: {  	s8 =	sand.u32 $0x1, s3;
	s4 =	sshll.u32 s0, $0x1;
	s3 =	sadd.s32 $0x1883600, s6  }
0x9: {  	s12 =	smul.u32 $0xB4000, s0;
	_ =	strace $0x8000004A;
	s9 =	sor.u32 s8, s4  }
0xa: {  	s4 =	sadd.s32 $0x5A00, s6;
	s10 =	ssub.s32 $0x2, s8;
	s13 =	smul.u32 $0x5A000, s8  }
0xb: {  	s6 =	sadd.s32 $0x6400, s6;
	s5 =	smul.u32 $0x2710, s9;
	s11 =	sshrl.u32 s10, $0x1  }
0xc: {  	s20 =	smul.u32 $0x2D00, s9;
	s31 =	sadd.s32 s12, s6;
	s12 =	simm.s32 $0x2  }
0xd: {  	v3 =	vlaneseq.u32;
	s10 =	ssub.s32 s10, s11;
	s9 =	sadd.s32 s13, s31;
	s11 =	simm.s32 $0x3  }
0xe: {  	vm0 =	vmmov $0xffff;
	v1 =	vand.u32 $0x7, v3;
	v2 =	vshrl.u32 v3, $0x3;
	s13 =	simm.s32 $0x2780;
	s30 =	sshrl.u32 s5, $0x3;
	s8 =	smax.u32 s10, $0x1  }
0xf: {  	v3 =	vor.u32 $0x8, v3;
	v2 =	vmul.u32 $0x8, v2;
	s10 =	simm.s32 $0xC780;
	v0 =	vmov s20;
	s20 =	simm.s32 $0xA780;
	s7 =	sadd.s32 s7, s30  }
.LBB2_1:
0x10: {  	[tilespmem:s10], [sflag:$0x3] =	stream.linear.gather [hbm4b:s4+s2], $0x5000, $0x38;
	[tilespmem:$0x11780] =	vst v63  }
0x11: {  	_ =	swait.ge [sflag:s11], $0x5000  }
0x12: {  	[sflag:s11] =	ssyncset.done $0x0  }
0x13: {  	s26 =	simm.s32 $0x0;
	[sflag:s11] =	ssyncadd.s32 $0xFFFFB000  }
.LBB2_2:
0x14: {  	p0 =	sne.s32 s26, $0x59600  }
.Ltmp0:
0x15: {  	_ = 	snop;
	(pc) =	sbr.rel @p0 .LBB2_2-.Ltmp0, $3  }
0x16: {  	_ =	sdelay $0x1  }
0x17: {  	s28 =	sadd.s32 s26, s9;
	s26 =	sadd.s32 $0xA00, s26  }
0x18: {  	[hbm4b:s28+s2] =	stream.linear.scatter [tilespmem:s10], [sflag:$0x2], $0x5000, $0x38;
	[tilespmem:$0x11780] =	vst v63  }
0x19: {  	_ =	swait.ge [sflag:s12], $0x5000  }
0x1a: {  	s26 =	simm.s32 $0x8F;
	[sflag:s12] =	ssyncset.done $0x0  }
.LBB2_4:
0x1b: {  	p0 =	sne.s32 s26, $0x1;
	s26 =	sadd.s32 $0xFFFFFFFF, s26;
	[sflag:s12] =	ssyncadd.s32 $0xFFFFB000  }
.Ltmp1:
0x1c: {  	(pc) =	sbr.rel @p0 .LBB2_4-.Ltmp1, $3  }
0x1d: {  	_ =	sdelay $0x1  }
0x1e: {  	_ =	swait.ge [sflag:s12], $0x5000  }
0x1f: {  	[sflag:s12] =	ssyncset.done $0x0  }
0x20: {  	[sflag:s12] =	ssyncadd.s32 $0xFFFFB000;
	s26 =	simm.s32 $0x0  }
0x21: {  	[tilespmem:s26], [sflag:$0x3] =	stream.linear.gather [hbm4b:s7+s26], $0x2710, $0x38;
	[tilespmem:$0x11780] =	vst v63  }
0x22: {  	_ =	swait.ge [sflag:s11], $0x2710  }
0x23: {  	[sflag:s11] =	ssyncset.done $0x0  }
0x24: {  	s28 =	simm.s32 $0x0;
	s29 =	simm.s32 $0x40;
	[sflag:s11] =	ssyncadd.s32 $0xFFFFD8F0  }
.LBB2_6:
0x25: {  	p0 =	sne.s32 s29, $0x9C00;
	v4 =	vld [tilespmem:s28+$0x0];
	_ =	sdelay $0x1  }
.Ltmp2:
0x26: {  	(pc) =	sbr.rel @p0 .LBB2_6-.Ltmp2, $3  }
0x27: {  	_ =	sdelay $0x1  }
0x28: {  	v4 =	vadd.s32 v0, v4  }
0x29: {  	[tilespmem:s28+$0x0] =	vst v4;
	s28 =	sshra.s32 s29, $0x2;
	s29 =	sadd.s32 $0x40, s29  }
0x2a: {  	v4 =	vld [tilespmem:s28+$0x0];
	_ =	sdelay $0x4  }
0x2b: {  	v4 =	vadd.s32 v0, v4  }
0x2c: {  	[tilespmem:s28+$0x0] =	vst v4  }
.LBB2_8:
0x2d: {  	s28 =	smul.u32 $0x50, s26;
	_ =	sdelay $0x1  }
0x2e: {  	s29 =	sadd.s32 s5, s28  }
0x2f: {  	s29 =	sshll.u32 s29, $0x5  }
0x30: {  	s30 =	sadd.s32 s3, s29;
	s29 =	simm.s32 $0x0  }
0x31: {  	[tilespmem:s13], [sflag:$0x2] =	stream.linear.gather [hbm4b:s30+s29], $0x5000, $0x38;
	[tilespmem:$0x11780] =	vst v63  }
0x32: {  	v4 =	vld [tilespmem:s28+$0x0];
	_ =	sdelay $0x4  }
0x33: {  	v5 =	vshll.u32 v4, $0x1  }
0x34: {  	v4 =	vand.u32 $0x7, v4;
	v5 =	vand.u32 $0xFFFFFFF0, v5  }
0x35: {  	v4 =	vor.u32 v4, v5  }
0x36: {  	v5 =	vperm.xlane v4, v1;
	_ =	sdelay $0x1  }
0x37: {  	v4 =	vperm.xlane v4, v3;
	v5 =	vadd.s32 v2, v5;
	_ =	sdelay $0x1  }
0x38: {  	v4 =	vadd.s32 v2, v4;
	_ =	sdelay $0x2  }
0x39: {  	[tilespmem:s14], [sflag:$0x1] =	stream.indirect_vreg.gather [hbm4b:s6+s29], $0x80, v5, vm0, $0xb8;
	[tilespmem:$0x11780] =	vst v63  }
0x3a: {  	_ = 	snop  }
0x3b: {  	[tilespmem:s15], [sflag:$0x1] =	stream.indirect_vreg.gather [hbm4b:s6+s29], $0x80, v4, vm0, $0xb8;
	[tilespmem:$0x11780] =	vst v63  }
0x3c: {  	v4 =	vld [tilespmem:s28+$0x10];
	_ =	sdelay $0x4  }
0x3d: {  	v5 =	vshll.u32 v4, $0x1  }
0x3e: {  	v4 =	vand.u32 $0x7, v4;
	v5 =	vand.u32 $0xFFFFFFF0, v5  }
0x3f: {  	v4 =	vor.u32 v4, v5  }
0x40: {  	v5 =	vperm.xlane v4, v1;
	_ =	sdelay $0x1  }
0x41: {  	v4 =	vperm.xlane v4, v3;
	v5 =	vadd.s32 v2, v5;
	_ =	sdelay $0x1  }
0x42: {  	v4 =	vadd.s32 v2, v4;
	_ =	sdelay $0x2  }
0x43: {  	[tilespmem:s16], [sflag:$0x1] =	stream.indirect_vreg.gather [hbm4b:s6+s29], $0x80, v5, vm0, $0xb8;
	[tilespmem:$0x11780] =	vst v63  }
0x44: {  	_ = 	snop  }
0x45: {  	[tilespmem:s17], [sflag:$0x1] =	stream.indirect_vreg.gather [hbm4b:s6+s29], $0x80, v4, vm0, $0xb8;
	[tilespmem:$0x11780] =	vst v63  }
0x46: {  	v4 =	vld [tilespmem:s28+$0x20];
	_ =	sdelay $0x4  }
0x47: {  	v5 =	vshll.u32 v4, $0x1  }
0x48: {  	v4 =	vand.u32 $0x7, v4;
	v5 =	vand.u32 $0xFFFFFFF0, v5  }
0x49: {  	v4 =	vor.u32 v4, v5  }
0x4a: {  	v5 =	vperm.xlane v4, v1;
	_ =	sdelay $0x1  }
0x4b: {  	v4 =	vperm.xlane v4, v3;
	v5 =	vadd.s32 v2, v5;
	_ =	sdelay $0x1  }
0x4c: {  	v4 =	vadd.s32 v2, v4;
	_ =	sdelay $0x2  }
0x4d: {  	[tilespmem:s18], [sflag:$0x1] =	stream.indirect_vreg.gather [hbm4b:s6+s29], $0x80, v5, vm0, $0xb8;
	[tilespmem:$0x11780] =	vst v63  }
0x4e: {  	_ = 	snop  }
0x4f: {  	[tilespmem:s19], [sflag:$0x1] =	stream.indirect_vreg.gather [hbm4b:s6+s29], $0x80, v4, vm0, $0xb8;
	[tilespmem:$0x11780] =	vst v63  }
0x50: {  	v4 =	vld [tilespmem:s28+$0x30];
	_ =	sdelay $0x4  }
0x51: {  	v5 =	vshll.u32 v4, $0x1  }
0x52: {  	v4 =	vand.u32 $0x7, v4;
	v5 =	vand.u32 $0xFFFFFFF0, v5  }
0x53: {  	v4 =	vor.u32 v4, v5  }
0x54: {  	v5 =	vperm.xlane v4, v1;
	_ =	sdelay $0x1  }
0x55: {  	v4 =	vperm.xlane v4, v3;
	v5 =	vadd.s32 v2, v5;
	_ =	sdelay $0x1  }
0x56: {  	v4 =	vadd.s32 v2, v4;
	_ =	sdelay $0x2  }
0x57: {  	[tilespmem:s20], [sflag:$0x1] =	stream.indirect_vreg.gather [hbm4b:s6+s29], $0x80, v5, vm0, $0xb8;
	[tilespmem:$0x11780] =	vst v63  }
0x58: {  	_ = 	snop  }
0x59: {  	[tilespmem:s21], [sflag:$0x1] =	stream.indirect_vreg.gather [hbm4b:s6+s29], $0x80, v4, vm0, $0xb8;
	[tilespmem:$0x11780] =	vst v63  }
0x5a: {  	v4 =	vld [tilespmem:s28+$0x40];
	_ =	sdelay $0x4  }
0x5b: {  	v5 =	vshll.u32 v4, $0x1  }
0x5c: {  	v4 =	vand.u32 $0x7, v4;
	v5 =	vand.u32 $0xFFFFFFF0, v5  }
0x5d: {  	v4 =	vor.u32 v4, v5  }
0x5e: {  	v5 =	vperm.xlane v4, v1;
	_ =	sdelay $0x1  }
0x5f: {  	v4 =	vperm.xlane v4, v3;
	v5 =	vadd.s32 v2, v5;
	_ =	sdelay $0x1  }
0x60: {  	v4 =	vadd.s32 v2, v4;
	_ =	sdelay $0x2  }
0x61: {  	[tilespmem:s22], [sflag:$0x1] =	stream.indirect_vreg.gather [hbm4b:s6+s29], $0x80, v5, vm0, $0xb8;
	[tilespmem:$0x11780] =	vst v63  }
0x62: {  	_ = 	snop  }
0x63: {  	[tilespmem:s23], [sflag:$0x1] =	stream.indirect_vreg.gather [hbm4b:s6+s29], $0x80, v4, vm0, $0xb8;
	[tilespmem:$0x11780] =	vst v63  }
0x64: {  	_ =	swait.ge [sflag:s12], $0x5000  }
0x65: {  	[sflag:s12] =	ssyncset.done $0x0  }
0x66: {  	[sflag:s12] =	ssyncadd.s32 $0xFFFFB000  }
0x67: {  	_ =	swait.ge [sflag:s24], $0x5000  }
0x68: {  	s30 =	sand.u32 $0x7800, s29;
	s29 =	sand.u32 $0x380, s29;
	[sflag:s24] =	ssyncset.done $0x0  }
0x69: {  	s29 =	sor.u32 s29, s30;
	[sflag:s24] =	ssyncadd.s32 $0xFFFFB000  }
0x6a: {  	v11 =	vld [tilespmem:s29+$0x2780]  }
0x6b: {  	v12 =	vld [tilespmem:s29+$0x2790]  }
0x6c: {  	v13 =	vld [tilespmem:s29+$0x27A0]  }
0x6d: {  	v14 =	vld [tilespmem:s29+$0x27B0]  }
0x6e: {  	v15 =	vld [tilespmem:s29+$0x27C0]  }
0x6f: {  	v16 =	vld [tilespmem:s29+$0x27D0]  }
0x70: {  	v17 =	vld [tilespmem:s29+$0x27E0]  }
0x71: {  	v18 =	vld [tilespmem:s29+$0x27F0]  }
0x72: {  	v19 =	vld [tilespmem:s29+$0x2B80]  }
0x73: {  	v10 =	vld [tilespmem:s29+$0x2B90]  }
0x74: {  	v9 =	vld [tilespmem:s29+$0x2BA0]  }
0x75: {  	v8 =	vld [tilespmem:s29+$0x2BB0]  }
0x76: {  	v7 =	vld [tilespmem:s29+$0x2BC0]  }
0x77: {  	v6 =	vld [tilespmem:s29+$0x2BD0]  }
0x78: {  	v5 =	vld [tilespmem:s29+$0x2BE0]  }
0x79: {  	v4 =	vld [tilespmem:s29+$0x2BF0]  }
0x7a: {  	v20 =	vld [tilespmem:s29+$0x7780]  }
0x7b: {  	v21 =	vld [tilespmem:s29+$0x7790]  }
0x7c: {  	v22 =	vld [tilespmem:s29+$0x77A0]  }
0x7d: {  	v23 =	vld [tilespmem:s29+$0x77B0]  }
0x7e: {  	v24 =	vld [tilespmem:s29+$0x77C0]  }
0x7f: {  	v60 =	vld [tilespmem:s29+$0x77D0];
	v11 =	vadd.f32 v11, v20  }
0x80: {  	v61 =	vld [tilespmem:s29+$0x77E0];
	v12 =	vadd.f32 v12, v21  }
0x81: {  	v62 =	vld [tilespmem:s29+$0x77F0];
	[tilespmem:s29+$0x7780] =	vst v11;
	v11 =	vadd.f32 v13, v22  }
0x82: {  	v63 =	vld [tilespmem:s29+$0x7B80];
	[tilespmem:s29+$0x7790] =	vst v12;
	v12 =	vadd.f32 v14, v23  }
0x83: {  	v14 =	vld [tilespmem:s29+$0x7B90];
	[tilespmem:s29+$0x77A0] =	vst v11;
	v11 =	vadd.f32 v15, v24  }
0x84: {  	v13 =	vld [tilespmem:s29+$0x7BA0];
	[tilespmem:s29+$0x77B0] =	vst v12;
	v12 =	vadd.f32 v16, v60  }
0x85: {  	v15 =	vadd.f32 v17, v61;
	[tilespmem:s29+$0x77C0] =	vst v11;
	v11 =	vld [tilespmem:s29+$0x7BB0]  }
0x86: {  	v17 =	vadd.f32 v18, v62;
	[tilespmem:s29+$0x77D0] =	vst v12;
	v12 =	vld [tilespmem:s29+$0x7BC0]  }
0x87: {  	s31 =	simm.s32 $0x100;
	s30 =	simm.s32 $0x80;
	v16 =	vadd.f32 v19, v63;
	[tilespmem:s29+$0x77E0] =	vst v15;
	v15 =	vld [tilespmem:s29+$0x7BD0]  }
.LBB2_9:
0x88: {  	s0 =	sand.u32 $0x7800, s31;
	s1 =	sand.u32 $0x380, s30;
	p0 =	sne.s32 s31, $0x4F00;
	[tilespmem:s29+$0x77F0] =	vst v17;
	v10 =	vadd.f32 v10, v14;
	v14 =	vld [tilespmem:s29+$0x7BE0]  }
0x89: {  	s0 =	sor.u32 s1, s0;
	[tilespmem:s29+$0x7B80] =	vst v16;
	v9 =	vadd.f32 v9, v13;
	v13 =	vld [tilespmem:s29+$0x7BF0]  }
0x8a: {  	v16 =	vld [tilespmem:s0+$0x2780];
	[tilespmem:s29+$0x7B90] =	vst v10;
	v8 =	vadd.f32 v8, v11  }
0x8b: {  	v11 =	vld [tilespmem:s0+$0x2790];
	[tilespmem:s29+$0x7BA0] =	vst v9;
	v7 =	vadd.f32 v7, v12  }
0x8c: {  	v12 =	vld [tilespmem:s0+$0x27A0];
	[tilespmem:s29+$0x7BB0] =	vst v8;
	v6 =	vadd.f32 v6, v15  }
0x8d: {  	v15 =	vld [tilespmem:s0+$0x27B0];
	[tilespmem:s29+$0x7BC0] =	vst v7;
	v5 =	vadd.f32 v5, v14  }
0x8e: {  	v14 =	vld [tilespmem:s0+$0x27C0];
	[tilespmem:s29+$0x7BD0] =	vst v6;
	v4 =	vadd.f32 v4, v13  }
0x8f: {  	v13 =	vld [tilespmem:s0+$0x27D0];
	[tilespmem:s29+$0x7BE0] =	vst v5  }
0x90: {  	v17 =	vld [tilespmem:s0+$0x27E0];
	[tilespmem:s29+$0x7BF0] =	vst v4;
	s29 =	smov.u32 s0  }
0x91: {  	v18 =	vld [tilespmem:s29+$0x27F0]  }
0x92: {  	v19 =	vld [tilespmem:s29+$0x2B80]  }
0x93: {  	v10 =	vld [tilespmem:s29+$0x2B90]  }
0x94: {  	v9 =	vld [tilespmem:s29+$0x2BA0]  }
0x95: {  	v8 =	vld [tilespmem:s29+$0x2BB0]  }
0x96: {  	v7 =	vld [tilespmem:s29+$0x2BC0]  }
0x97: {  	v6 =	vld [tilespmem:s29+$0x2BD0]  }
0x98: {  	v5 =	vld [tilespmem:s29+$0x2BE0]  }
0x99: {  	v4 =	vld [tilespmem:s29+$0x2BF0]  }
0x9a: {  	v20 =	vld [tilespmem:s29+$0x7780]  }
0x9b: {  	v21 =	vld [tilespmem:s29+$0x7790]  }
0x9c: {  	v22 =	vld [tilespmem:s29+$0x77A0]  }
0x9d: {  	v23 =	vld [tilespmem:s29+$0x77B0]  }
0x9e: {  	v24 =	vld [tilespmem:s29+$0x77C0]  }
0x9f: {  	v16 =	vadd.f32 v16, v20;
	v20 =	vld [tilespmem:s29+$0x77D0]  }
0xa0: {  	v11 =	vadd.f32 v11, v21;
	v21 =	vld [tilespmem:s29+$0x77E0]  }
0xa1: {  	[tilespmem:s29+$0x7780] =	vst v16;
	v12 =	vadd.f32 v12, v22;
	v16 =	vld [tilespmem:s29+$0x77F0]  }
0xa2: {  	[tilespmem:s29+$0x7790] =	vst v11;
	v11 =	vadd.f32 v15, v23;
	v15 =	vld [tilespmem:s29+$0x7B80]  }
.Ltmp3:
0xa3: {  	[tilespmem:s29+$0x77A0] =	vst v12;
	v12 =	vadd.f32 v14, v24;
	v14 =	vld [tilespmem:s29+$0x7B90];
	(pc) =	sbr.rel @p0 .LBB2_9-.Ltmp3, $4  }
0xa4: {  	[tilespmem:s29+$0x77B0] =	vst v11;
	v20 =	vadd.f32 v13, v20;
	v13 =	vld [tilespmem:s29+$0x7BA0]  }
0xa5: {  	[tilespmem:s29+$0x77C0] =	vst v12;
	v21 =	vadd.f32 v17, v21;
	v11 =	vld [tilespmem:s29+$0x7BB0]  }
0xa6: {  	[tilespmem:s29+$0x77D0] =	vst v20;
	v17 =	vadd.f32 v18, v16;
	v12 =	vld [tilespmem:s29+$0x7BC0]  }
0xa7: {  	s30 =	sadd.s32 $0x80, s30;
	s31 =	sadd.s32 $0x100, s31;
	[tilespmem:s29+$0x77E0] =	vst v21;
	v16 =	vadd.f32 v19, v15;
	v15 =	vld [tilespmem:s29+$0x7BD0]  }
0xa8: {  	[tilespmem:s29+$0x77F0] =	vst v17;
	v10 =	vadd.f32 v10, v14;
	v62 =	vld [tilespmem:s29+$0x7BE0]  }
0xa9: {  	v63 =	vld [tilespmem:s29+$0x7BF0];
	[tilespmem:s29+$0x7B80] =	vst v16;
	v9 =	vadd.f32 v9, v13  }
0xaa: {  	[tilespmem:s29+$0x7B90] =	vst v10;
	v8 =	vadd.f32 v8, v11  }
0xab: {  	[tilespmem:s29+$0x7BA0] =	vst v9;
	v7 =	vadd.f32 v7, v12  }
0xac: {  	[tilespmem:s29+$0x7BB0] =	vst v8;
	v6 =	vadd.f32 v6, v15  }
0xad: {  	[tilespmem:s29+$0x7BC0] =	vst v7;
	v5 =	vadd.f32 v5, v62  }
0xae: {  	v4 =	vadd.f32 v4, v63;
	[tilespmem:s29+$0x7BD0] =	vst v6  }
0xaf: {  	[tilespmem:s29+$0x7BE0] =	vst v5  }
0xb0: {  	[tilespmem:s29+$0x7BF0] =	vst v4  }
0xb1: {  	v4 =	vld [tilespmem:s28+$0x0];
	_ =	sdelay $0x4  }
0xb2: {  	v5 =	vshll.u32 v4, $0x1  }
0xb3: {  	v4 =	vand.u32 $0x7, v4;
	v5 =	vand.u32 $0xFFFFFFF0, v5  }
0xb4: {  	v4 =	vor.u32 v4, v5  }
0xb5: {  	v5 =	vperm.xlane v4, v1;
	_ =	sdelay $0x1  }
0xb6: {  	v4 =	vperm.xlane v4, v3;
	v5 =	vadd.s32 v2, v5;
	_ =	sdelay $0x1  }
0xb7: {  	v4 =	vadd.s32 v2, v4;
	_ =	sdelay $0x2  }
0xb8: {  	[hbm4b:s6+s2] =	stream.indirect_vreg.scatter [tilespmem:s14], [sflag:$0x3], $0x80, v5, vm0, $0xb8;
	[tilespmem:$0x11780] =	vst v63  }
0xb9: {  	_ = 	snop  }
0xba: {  	[hbm4b:s6+s2] =	stream.indirect_vreg.scatter [tilespmem:s15], [sflag:$0x3], $0x80, v4, vm0, $0xb8;
	[tilespmem:$0x11780] =	vst v63  }
0xbb: {  	v4 =	vld [tilespmem:s28+$0x10];
	_ =	sdelay $0x4  }
0xbc: {  	v5 =	vshll.u32 v4, $0x1  }
0xbd: {  	v4 =	vand.u32 $0x7, v4;
	v5 =	vand.u32 $0xFFFFFFF0, v5  }
0xbe: {  	v4 =	vor.u32 v4, v5  }
0xbf: {  	v5 =	vperm.xlane v4, v1;
	_ =	sdelay $0x1  }
0xc0: {  	v4 =	vperm.xlane v4, v3;
	v5 =	vadd.s32 v2, v5;
	_ =	sdelay $0x1  }
0xc1: {  	v4 =	vadd.s32 v2, v4;
	_ =	sdelay $0x2  }
0xc2: {  	[hbm4b:s6+s2] =	stream.indirect_vreg.scatter [tilespmem:s16], [sflag:$0x3], $0x80, v5, vm0, $0xb8;
	[tilespmem:$0x11780] =	vst v63  }
0xc3: {  	_ = 	snop  }
0xc4: {  	[hbm4b:s6+s2] =	stream.indirect_vreg.scatter [tilespmem:s17], [sflag:$0x3], $0x80, v4, vm0, $0xb8;
	[tilespmem:$0x11780] =	vst v63  }
0xc5: {  	v4 =	vld [tilespmem:s28+$0x20];
	_ =	sdelay $0x4  }
0xc6: {  	v5 =	vshll.u32 v4, $0x1  }
0xc7: {  	v4 =	vand.u32 $0x7, v4;
	v5 =	vand.u32 $0xFFFFFFF0, v5  }
0xc8: {  	v4 =	vor.u32 v4, v5  }
0xc9: {  	v5 =	vperm.xlane v4, v1;
	_ =	sdelay $0x1  }
0xca: {  	v4 =	vperm.xlane v4, v3;
	v5 =	vadd.s32 v2, v5;
	_ =	sdelay $0x1  }
0xcb: {  	v4 =	vadd.s32 v2, v4;
	_ =	sdelay $0x2  }
0xcc: {  	[hbm4b:s6+s2] =	stream.indirect_vreg.scatter [tilespmem:s18], [sflag:$0x3], $0x80, v5, vm0, $0xb8;
	[tilespmem:$0x11780] =	vst v63  }
0xcd: {  	_ = 	snop  }
0xce: {  	[hbm4b:s6+s2] =	stream.indirect_vreg.scatter [tilespmem:s19], [sflag:$0x3], $0x80, v4, vm0, $0xb8;
	[tilespmem:$0x11780] =	vst v63  }
0xcf: {  	v4 =	vld [tilespmem:s28+$0x30];
	_ =	sdelay $0x4  }
0xd0: {  	v5 =	vshll.u32 v4, $0x1  }
0xd1: {  	v4 =	vand.u32 $0x7, v4;
	v5 =	vand.u32 $0xFFFFFFF0, v5  }
0xd2: {  	v4 =	vor.u32 v4, v5  }
0xd3: {  	v5 =	vperm.xlane v4, v1;
	_ =	sdelay $0x1  }
0xd4: {  	v4 =	vperm.xlane v4, v3;
	v5 =	vadd.s32 v2, v5;
	_ =	sdelay $0x1  }
0xd5: {  	v4 =	vadd.s32 v2, v4;
	_ =	sdelay $0x2  }
0xd6: {  	[hbm4b:s6+s2] =	stream.indirect_vreg.scatter [tilespmem:s20], [sflag:$0x3], $0x80, v5, vm0, $0xb8;
	[tilespmem:$0x11780] =	vst v63  }
0xd7: {  	_ = 	snop  }
0xd8: {  	[hbm4b:s6+s2] =	stream.indirect_vreg.scatter [tilespmem:s21], [sflag:$0x3], $0x80, v4, vm0, $0xb8;
	[tilespmem:$0x11780] =	vst v63  }
0xd9: {  	v4 =	vld [tilespmem:s28+$0x40];
	_ =	sdelay $0x4  }
0xda: {  	v5 =	vshll.u32 v4, $0x1  }
0xdb: {  	v4 =	vand.u32 $0x7, v4;
	v5 =	vand.u32 $0xFFFFFFF0, v5  }
0xdc: {  	v4 =	vor.u32 v4, v5  }
0xdd: {  	v5 =	vperm.xlane v4, v1;
	_ =	sdelay $0x1  }
0xde: {  	v4 =	vperm.xlane v4, v3;
	v5 =	vadd.s32 v2, v5;
	_ =	sdelay $0x1  }
0xdf: {  	v4 =	vadd.s32 v2, v4  }
0xe0: {  	s26 =	sadd.s32 $0x1, s26  }
0xe1: {  	p0 =	sne.s32 s26, $0x7D  }
0xe2: {  	[hbm4b:s6+s2] =	stream.indirect_vreg.scatter [tilespmem:s22], [sflag:$0x3], $0x80, v5, vm0, $0xb8;
	[tilespmem:$0x11780] =	vst v63  }
.Ltmp4:
0xe3: {  	_ = 	snop;
	(pc) =	sbr.rel @p0 .LBB2_8-.Ltmp4, $4  }
0xe4: {  	[hbm4b:s6+s2] =	stream.indirect_vreg.scatter [tilespmem:s23], [sflag:$0x3], $0x80, v4, vm0, $0xb8;
	[tilespmem:$0x11780] =	vst v63  }
0xe5: {  	_ =	swait.ge [sflag:s11], $0x5000  }
0xe6: {  	[sflag:s11] =	ssyncset.done $0x0  }
0xe7: {  	[sflag:s11] =	ssyncadd.s32 $0xFFFFB000  }
0xe8: {  	s25 =	sadd.s32 $0x1, s25  }
0xe9: {  	p0 =	sne.s32 s25, s8  }
.Ltmp5:
0xea: {  	_ = 	snop;
	(pc) =	sbr.rel @p0 .LBB2_1-.Ltmp5, $1  }
0xeb: {  	_ =	sdelay $0x3  }
0xec: {  	_ =	sfence.sel $0x180000  }
0xed: {  	[bflag:$0x0] =	sbarrier.arrive $0xFFFF  }
0xee: {  	_ =	strace $0x9000004A  }
0xef: {  	s0 =	stileid.u32;
	[bflag:$0x2] =	sbarrier.arrive $0xFFFF  }
0xf0: {  	p0 =	sne.s32 s0, $0x0;
	s0 =	rddreg [dreg:$0x2]  }
0xf1: {  	s0 =	sadd.s32 @!p0 $0x100000, s0  }
0xf2: {  	[sflag:s0] =	ssyncadd.tile.s32 @!p0 $0x1;
	_ =	shalt  }
.Lfunc_end2:
_tile_overlayer_lowered:
.L_overlay_start_2:
0xf3: {  	(tag) =	ssettag $0x2  }
0xf4: {  	s0 =	rddreg [dreg:$0x0];
	s2 =	stileid.u32  }
0xf5: {  	s1 =	rddreg [dreg:$0x1];
	p0 =	sne.s32 s2, $0x0  }
0xf6: {  	s3 =	rddreg [dreg:$0x2];
	[bflag:$0x3] =	sbarrier.arrive $0xFFFF;
	s2 =	simm.s32 @!p0 $0x1C03  }
0xf7: {  	[timem:s3], [sflag:s2] =	dma.local @!p0 [hbm:s0], s1  }
0xf8: {  	s0 =	simm.s32 @!p0 $0x3  }
0xf9: {  	_ =	swait.ge @!p0 [sflag:s0], s1  }
0xfa: {  	s1 =	ssub.s32 @!p0 $0x0, s1;
	[sflag:s0] =	ssyncset.done @!p0 $0x0  }
0xfb: {  	[sflag:s0] =	ssyncadd.s32 @!p0 s1  }
0xfc: {  	[bflag:$0x3] =	sbarrier.arrive $0xFFFF  }
0xfd: {  	_ =	shalt  }

// kernel: kernel.8.cloned.1.call-start
scs
__scs_entry_jumppad:
0x0: {  	(pc) =	sbr.rel $0x88, $3  }
0x1: {  	(tag) =	ssettag $0x0;
	lr =	simm.s32 $0x1  }
0x2: {  	[smem:$0x3F82] =	sst lr;
	_ =	strace $0xD0000000  }
0x3: {  	_ = 	snop  }
0x4: {  	_ = 	snop  }
0x5: {  	_ = 	snop  }
0x6: {  	_ = 	snop  }
0x7: {  	_ = 	snop  }
__scs_overlays_trampoline_lowered:
0x8: {  	[smem:$0x3F91] =	sst s0  }
0x9: {  	[smem:$0x3F92] =	sst s1  }
0xa: {  	[smem:$0x3F93] =	sst s2  }
0xb: {  	[smem:$0x3F94] =	sst s3  }
0xc: {  	[smem:$0x3F95] =	sst s4  }
0xd: {  	[smem:$0x3F96] =	sst s5  }
0xe: {  	[smem:$0x3F97] =	sst s6  }
0xf: {  	[smem:$0x3F98] =	sst s7  }
0x10: {  	[smem:$0x3F99] =	sst s8  }
0x11: {  	[smem:$0x3F9A] =	sst s9;
	s0 =	simm.s32 @!p0 $0x0  }
0x12: {  	s1 =	sld [smem:$0x3F80];
	s0 =	simm.s32 @p0 $0x1  }
0x13: {  	[smem:$0x3F9B] =	sst s0;
	s0 =	simm.s32 @!p1 $0x0  }
0x14: {  	s2 =	sld [smem:$0x3F7F];
	s0 =	simm.s32 @p1 $0x1  }
0x15: {  	[smem:$0x3F9C] =	sst s0;
	s0 =	simm.s32 @!p2 $0x0  }
0x16: {  	s3 =	sld [smem:$0x3FDB];
	s0 =	simm.s32 @p2 $0x1  }
0x17: {  	s4 =	simm.s32 $0x1BF5;
	[smem:$0x3F9E] =	sst s0  }
0x18: {  	s0 =	sld [smem:$0x3F81];
	_ =	swait.ge [sflag:s4], $0x0  }
0x19: {  	s7 =	sld [smem:$0x3F82]  }
0x1a: {  	s8 =	sadd.s32 $0xFFFFE003, lr  }
0x1b: {  	s9 =	sadd.s32 $0xFFFFFEF7, lr;
	s5 =	simm.s32 $0xFFFFFFFF;
	p2 =	slt.u32 s8, $0xFFFFF086  }
0x1c: {  	p1 =	slt.u32 s9, $0xF7A;
	s5 =	simm.s32 @!p2 $0x0  }
0x1d: {  	s5 =	simm.s32 @p1 $0x1;
	p0 =	seq.s32 s7, s2  }
0x1e: {  	s7 =	smul.u32 @!p0 $0xF7A, s2;
	p2 =	seq.s32 @!p0 s5, $0x0  }
0x1f: {  	s9 =	smul.u32 $0xF7A, s1;
	s8 =	simm.s32 @!p0 $0x1BF5;
	p2 =	por !p2, p0  }
0x20: {  	[sflag:s8] =	ssyncset.s32 @!p0 $0xFFFFF086;
	s6 =	sadd.s32 @!p0 s3, s7;
	s7 =	simm.s32 @!p0 $0x108  }
0x21: {  	s3 =	sadd.s32 s3, s9;
	s6 =	sadd.s32 @!p0 $0x88, s6;
	s7 =	simm.s32 @p2 $0x1082  }
0x22: {  	[simem:s7], [sflag:s8] =	dma.local @!p0 [hbm:s6], $0xF7A  }
0x23: {  	s9 =	sor.u32 $0xD0000000, s2;
	s6 =	simm.s32 $0x108;
	_ =	swait.ge @!p0 [sflag:s8], $0x0  }
0x24: {  	s3 =	sadd.s32 $0x88, s3;
	s6 =	simm.s32 @!p1 $0x1082;
	[sflag:s4] =	ssyncset.s32 $0xFFFFF086  }
0x25: {  	[simem:s6], [sflag:s4] =	dma.local [hbm:s3], $0xF7A  }
0x26: {  	[smem:$0x3F82] =	sst s1;
	(tag) =	ssettag s2;
	_ =	strace s9  }
0x27: {  	s1 =	sld [smem:$0x3F92]  }
0x28: {  	s2 =	sld [smem:$0x3F93]  }
0x29: {  	s4 =	sld [smem:$0x3F95]  }
0x2a: {  	p0 =	seq.s32 s5, $0x0;
	s5 =	sld [smem:$0x3F96]  }
0x2b: {  	s6 =	sld [smem:$0x3F97]  }
0x2c: {  	s7 =	sld [smem:$0x3F98]  }
0x2d: {  	s3 =	simm.s32 $0x108;
	s8 =	sld [smem:$0x3F99]  }
0x2e: {  	s3 =	simm.s32 @!p0 $0x1082;
	s9 =	sld [smem:$0x3F9A]  }
0x2f: {  	lr =	sadd.s32 s0, s3;
	s0 =	sld [smem:$0x3F91]  }
0x30: {  	s3 =	sld [smem:$0x3F94]  }
0x31: {  	[smem:$0x3F9D] =	sst s10  }
0x32: {  	s10 =	sld [smem:$0x3F9B];
	_ =	sdelay $0x3  }
0x33: {  	p0 =	seq.s32 s10, $0x1;
	s10 =	sld [smem:$0x3F9D];
	_ =	sdelay $0x3  }
0x34: {  	[smem:$0x3F9D] =	sst s10  }
0x35: {  	s10 =	sld [smem:$0x3F9C];
	_ =	sdelay $0x3  }
0x36: {  	p1 =	seq.s32 s10, $0x1;
	s10 =	sld [smem:$0x3F9D];
	_ =	sdelay $0x3  }
0x37: {  	[smem:$0x3F9D] =	sst s10  }
0x38: {  	s10 =	sld [smem:$0x3F9E]  }
0x39: {  	_ = 	snop;
	(pc) =	sbr.ind lr, $3  }
0x3a: {  	_ = 	snop  }
0x3b: {  	_ = 	snop  }
0x3c: {  	p2 =	seq.s32 s10, $0x1;
	s10 =	sld [smem:$0x3F9D]  }
0x3d: {  	_ =	shalt  }
0x3e: {  	_ =	shalt  }
0x3f: {  	_ =	shalt  }
0x40: {  	_ =	shalt  }
0x41: {  	_ =	shalt  }
0x42: {  	_ =	shalt  }
0x43: {  	_ =	shalt  }
0x44: {  	_ =	shalt  }
0x45: {  	_ =	shalt  }
0x46: {  	_ =	shalt  }
0x47: {  	_ =	shalt  }
0x48: {  	_ =	shalt  }
0x49: {  	_ =	shalt  }
0x4a: {  	_ =	shalt  }
0x4b: {  	_ =	shalt  }
0x4c: {  	_ =	shalt  }
0x4d: {  	_ =	shalt  }
0x4e: {  	_ =	shalt  }
0x4f: {  	_ =	shalt  }
0x50: {  	_ =	shalt  }
0x51: {  	_ =	shalt  }
0x52: {  	_ =	shalt  }
0x53: {  	_ =	shalt  }
0x54: {  	_ =	shalt  }
0x55: {  	_ =	shalt  }
0x56: {  	_ =	shalt  }
0x57: {  	_ =	shalt  }
0x58: {  	_ =	shalt  }
0x59: {  	_ =	shalt  }
0x5a: {  	_ =	shalt  }
0x5b: {  	_ =	shalt  }
0x5c: {  	_ =	shalt  }
0x5d: {  	_ =	shalt  }
0x5e: {  	_ =	shalt  }
0x5f: {  	_ =	shalt  }
0x60: {  	_ =	shalt  }
0x61: {  	_ =	shalt  }
0x62: {  	_ =	shalt  }
0x63: {  	_ =	shalt  }
0x64: {  	_ =	shalt  }
0x65: {  	_ =	shalt  }
0x66: {  	_ =	shalt  }
0x67: {  	_ =	shalt  }
0x68: {  	_ =	shalt  }
0x69: {  	_ =	shalt  }
0x6a: {  	_ =	shalt  }
0x6b: {  	_ =	shalt  }
0x6c: {  	_ =	shalt  }
0x6d: {  	_ =	shalt  }
0x6e: {  	_ =	shalt  }
0x6f: {  	_ =	shalt  }
0x70: {  	_ =	shalt  }
0x71: {  	_ =	shalt  }
0x72: {  	_ =	shalt  }
0x73: {  	_ =	shalt  }
0x74: {  	_ =	shalt  }
0x75: {  	_ =	shalt  }
0x76: {  	_ =	shalt  }
0x77: {  	_ =	shalt  }
0x78: {  	_ =	shalt  }
0x79: {  	_ =	shalt  }
0x7a: {  	_ =	shalt  }
0x7b: {  	_ =	shalt  }
0x7c: {  	_ =	shalt  }
0x7d: {  	_ =	shalt  }
0x7e: {  	_ =	shalt  }
0x7f: {  	_ =	shalt  }
0x80: {  	_ =	shalt  }
0x81: {  	_ =	shalt  }
0x82: {  	_ =	shalt  }
0x83: {  	_ =	shalt  }
0x84: {  	_ =	shalt  }
0x85: {  	_ =	shalt  }
0x86: {  	_ =	shalt  }
0x87: {  	_ =	shalt  }
.Lfunc_end0:
.L_simem_size_0:
called_computation_lowered:
.L_overlay_start_0:
0x88: {  	s2 =	sld [smem:$0x3FD9]  }
0x89: {  	s3 =	sld [smem:$0x3FFE];
	_ =	sdelay $0x1  }
0x8a: {  	s1 =	srdreg.scid  }
0x8b: {  	s0 =	sand.u32 $0x1, s1  }
0x8c: {  	s14 =	sshll.u32 s0, $0xA;
	s2 =	sadd.s32 s3, s2  }
0x8d: {  	s2 =	sadd.s32 s2, s14  }
0x8e: {  	[smem:$0x3FA9] =	sst s2  }
0x8f: {  	_ = 	snop  }
0x90: {  	s2 =	sld [smem:$0x3FD0];
	_ =	sdelay $0x2  }
0x91: {  	s15 =	simm.s32 $0xA;
	s4 =	simm.s32 $0x10  }
0x92: {  	[smem:s4], [sflag:s15] =	dma.local [hbm:s2], $0x1  }
0x93: {  	_ =	swait.eq [sflag:s15], $0x1  }
0x94: {  	[sflag:s15] =	ssyncset.done $0x0  }
0x95: {  	s16 =	sld [smem:$0x10];
	[sflag:s15] =	ssyncadd.s32 $0xFFFFFFFF  }
0x96: {  	s17 =	sld [smem:$0x11];
	(tm) =	ssettm $0x1  }
0x97: {  	s18 =	sld [smem:$0x3FFB];
	_ =	sdelay $0x3  }
0x98: {  	_ =	strace s18  }
0x99: {  	s4 =	sld [smem:$0x3FFC];
	_ =	sdelay $0x3  }
0x9a: {  	_ =	strace s4  }
0x9b: {  	s4 =	sld [smem:$0x3FFD];
	_ =	sdelay $0x3  }
0x9c: {  	_ =	strace s4  }
0x9d: {  	_ =	strace $0x8FFFFFFF  }
0x9e: {  	s19 =	sld [smem:$0x3FDB];
	_ =	sdelay $0x1  }
0x9f: {  	s5 =	simm.s32 $_scs_section_size  }
0xa0: {  	s6 =	simm.s32 $_size__tile_overlayer_lowered;
	s7 =	simm.s32 $_tile_overlayer_lowered  }
0xa1: {  	s22 =	simm.s32 $0x1BFF;
	s21 =	sshll.u32 s7, $0x1;
	s4 =	sadd.s32 s5, s19  }
0xa2: {  	s8 =	simm.s32 $0x0;
	s20 =	sshll.u32 s6, $0x1;
	s6 =	sadd.s32 s21, s4  }
0xa3: {  	[timem:s8], [sflag:s22] =	dma.local [hbm:s6], s20  }
0xa4: {  	_ =	swait.ge [sflag:s22], s20  }
0xa5: {  	s5 =	ssub.s32 $0x0, s20;
	[sflag:s22] =	ssyncset.done $0x0  }
0xa6: {  	[sflag:s22] =	ssyncadd.s32 s5;
	_ =	sdelay $0x1  }
0xa7: {  	s23 =	simm.s32 $0x1B8B  }
0xa8: {  	_ =	swait.ge [sflag:s23], $0x1  }
0xa9: {  	[sflag:s23] =	ssyncset.done $0x0  }
0xaa: {  	s25 =	simm.s32 $0x1B8E;
	s24 =	sld [smem:$0x3FFE];
	[sflag:s23] =	ssyncadd.s32 $0xFFFFFFFF  }
0xab: {  	s26 =	simm.s32 $execute0_lowered;
	[smem:$0x3FD2] =	sst s25  }
0xac: {  	s6 =	sshll.u32 s26, $0x1;
	_ =	strace $0x80000046;
	[dreg:$0x1] =	wrdreg $0xFFFFFFFF  }
0xad: {  	s28 =	simm.s32 $_size_execute0_lowered;
	s4 =	sadd.s32 s4, s6;
	[dreg:$0x0] =	wrdreg $0x0  }
0xae: {  	s6 =	sshll.u32 s28, $0x1;
	[dreg:$0x2] =	wrdreg s4  }
0xaf: {  	[dreg:$0x3] =	wrdreg s6  }
0xb0: {  	[dreg:$0x4] =	wrdreg $0xC0  }
0xb1: {  	_ =	task [dreg:s8], $0x5FFFF  }
0xb2: {  	[dreg:$0x1] =	wrdreg $0xFFFFFFFF  }
0xb3: {  	[dreg:$0x0] =	wrdreg $0x60  }
0xb4: {  	[dreg:$0x2] =	wrdreg s24  }
0xb5: {  	[dreg:$0x3] =	wrdreg s16  }
0xb6: {  	[dreg:$0x4] =	wrdreg s17  }
0xb7: {  	[dreg:$0x5] =	wrdreg $0x9  }
0xb8: {  	_ =	task.clear_ibuf [dreg:s8], $0x6FFFF;
	_ =	strace $0x90000046  }
0xb9: {  	s29 =	simm.s32 $0x9;
	_ =	strace $0x80000048  }
0xba: {  	_ =	swait.ge [sflag:s29], $0x1  }
0xbb: {  	[sflag:s29] =	ssyncadd.s32 $0xFFFFFFFF  }
0xbc: {  	_ =	strace $0x90000048  }
0xbd: {  	_ =	sfence  }
0xbe: {  	s30 =	sld [smem:$0x0];
	_ =	sdelay $0x2  }
0xbf: {  	s31 =	sshll.u32 s1, $0xD;
	s1 =	sshrl.u32 s1, $0x2  }
0xc0: {  	s3 =	sand.u32 $0x4000, s31;
	s1 =	sadd.s32 s1, s30  }
0xc1: {  	s0 =	sor.u32 s3, s0;
	s1 =	sshll.u32 s1, $0x11  }
0xc2: {  	s0 =	sor.u32 s1, s0  }
0xc3: {  	s0 =	sadd.s32 $0x8F2B, s0  }
0xc4: {  	[sflag:s0] =	ssyncadd.remote.s32 $0x1  }
0xc5: {  	_ =	sfence.sel $0xFFFF  }
0xc6: {  	[dreg:$0x0] =	wrdreg $0xFFFFFFFF;
	(pc) =	sbr.abs _section_cstart, $3  }
0xc7: {  	[dreg:$0x1] =	wrdreg $0xFFFFFFFF  }
0xc8: {  	_ =	task.clear_ibuf [dreg:s8], $0x2FFFF;
	_ =	strace $0x9FFFFFFF  }
0xc9: {  	(tm) =	ssettm $0x7FFFFFFF  }
tec
execute0_lowered:
.L_overlay_start_1:
0x0: {  	(tag) =	ssettag $0x1  }
0x1: {  	s0 =	rddreg [dreg:$0x0]  }
0x2: {  	s1 =	srdreg.scid;
	s2 =	rddreg [dreg:$0x1]  }
0x3: {  	s11 =	stileid.u32;
	s3 =	rddreg [dreg:$0x2]  }
0x4: {  	s12 =	simm.s32 $0x4;
	s26 =	simm.s32 $0x80;
	s14 =	simm.s32 $0x4F00  }
0x5: {  	s15 =	simm.s32 $0x8F00;
	s16 =	simm.s32 $0x9700;
	s17 =	simm.s32 $0x9F00  }
0x6: {  	s18 =	simm.s32 $0xA700;
	s19 =	simm.s32 $0xAF00;
	s20 =	simm.s32 $0xB700  }
0x7: {  	s28 =	simm.s32 $0xEF00;
	s29 =	simm.s32 $0xF700;
	s30 =	simm.s32 $0xFF00  }
0x8: {  	s31 =	simm.s32 $0x10700;
	s13 =	simm.s32 $0x3;
	s21 =	smul.u32 $0x4E200, s11  }
0x9: {  	s1 =	sand.u32 $0x1, s1;
	s4 =	sshll.u32 s11, $0x1;
	s11 =	smul.u32 $0x9C400, s11  }
0xa: {  	s8 =	sadd.s32 $0x19600, s0;
	s5 =	sor.u32 s1, s4;
	s22 =	smul.u32 $0x27100, s1  }
0xb: {  	s4 =	simm.s32 $0x0;
	s7 =	ssub.s32 $0x2, s1;
	s1 =	smul.u32 $0x4E200, s1  }
0xc: {  	s5 =	smul.u32 $0x2710, s5;
	[smem:$0x7FF] =	sst s4;
	s9 =	sshrl.u32 s7, $0x1  }
0xd: {  	s24 =	sadd.s32 s21, s8;
	s21 =	simm.s32 $0xBF00;
	_ =	strace $0x80000047  }
0xe: {  	s7 =	ssub.s32 s7, s9;
	[dreg:$0x4] =	wrdreg s26;
	s26 =	simm.s32 $0xE700  }
0xf: {  	s6 =	sshrl.u32 s5, $0x3;
	s5 =	sadd.s32 $0x2700, s5;
	s25 =	smax.u32 s7, $0x1  }
0x10: {  	s6 =	sadd.s32 s6, s0;
	s0 =	sadd.s32 $0x4FB600, s0;
	s23 =	sshll.u32 s5, $0x4  }
0x11: {  	s5 =	sshll.u32 s5, $0x5;
	[dreg:$0x9] =	wrdreg s25;
	s10 =	sadd.s32 $0xF800, s6  }
0x12: {  	s25 =	simm.s32 $0xDF00;
	s6 =	sadd.s32 $0x5A00, s6;
	[dreg:$0x5] =	wrdreg s10  }
0x13: {  	s5 =	sadd.s32 s0, s5;
	s0 =	sadd.s32 s11, s0;
	[dreg:$0x6] =	wrdreg s6  }
0x14: {  	s6 =	sadd.s32 s8, s23;
	[dreg:$0x8] =	wrdreg s5;
	s5 =	sadd.s32 s22, s24  }
0x15: {  	v2 =	vlaneseq.u32;
	s22 =	simm.s32 $0xC700;
	s23 =	simm.s32 $0xCF00;
	[dreg:$0x7] =	wrdreg s6  }
0x16: {  	vm0 =	vmmov $0xffff;
	v1 =	vshrl.u32 v2, $0x3;
	s24 =	simm.s32 $0xD700;
	[dreg:$0xa] =	wrdreg s5;
	s6 =	sadd.s32 s1, s0  }
0x17: {  	v0 =	vand.u32 $0x7, v2;
	v2 =	vor.u32 $0x8, v2;
	v1 =	vmul.u32 $0x8, v1;
	s1 =	simm.s32 $0x1;
	s0 =	simm.s32 $0x2;
	s5 =	simm.s32 $0x0  }
.LBB2_1:
0x18: {  	s7 =	rddreg [dreg:$0x5]  }
0x19: {  	[tilespmem:s4], [sflag:$0x4] =	stream.linear.gather [hbm4b:s7+s4], $0x2710, $0x38;
	[tilespmem:$0x10F00] =	vst v63  }
0x1a: {  	_ =	swait.ge [sflag:s12], $0x2710  }
0x1b: {  	[sflag:s12] =	ssyncset.done $0x0  }
0x1c: {  	s8 =	simm.s32 $0x2780;
	s11 =	rddreg [dreg:$0x6];
	[sflag:s12] =	ssyncadd.s32 $0xFFFFD8F0  }
0x1d: {  	[tilespmem:s8], [sflag:$0x4] =	stream.linear.gather [hbm4b:s11+s4], $0x2710, $0x38;
	[tilespmem:$0x10F00] =	vst v63  }
0x1e: {  	_ =	swait.ge [sflag:s12], $0x2710  }
0x1f: {  	s11 =	smov.u32 s6;
	[sflag:s12] =	ssyncset.done $0x0  }
0x20: {  	s8 =	simm.s32 $0x0;
	s10 =	rddreg [dreg:$0xa];
	[sflag:s12] =	ssyncadd.s32 $0xFFFFD8F0  }
.LBB2_2:
0x21: {  	s7 =	rddreg [dreg:$0x4];
	s9 =	sshra.s32 s8, $0x2  }
0x22: {  	[tilespmem:s14], [sflag:$0x1] =	stream.indirect.gather [hbm4b:s2+s7], $0x80, s9, s7, $0xb8;
	[tilespmem:$0x10F00] =	vst v63  }
0x23: {  	v3 =	vld [tilespmem:s9+$0x2780];
	_ =	sdelay $0x4  }
0x24: {  	v4 =	vshll.u32 v3, $0x1  }
0x25: {  	v3 =	vand.u32 $0x7, v3;
	v4 =	vand.u32 $0xFFFFFFF0, v4  }
0x26: {  	v3 =	vor.u32 v3, v4  }
0x27: {  	v4 =	vperm.xlane v3, v0;
	_ =	sdelay $0x1  }
0x28: {  	v3 =	vperm.xlane v3, v2;
	v4 =	vadd.s32 v1, v4;
	_ =	sdelay $0x1  }
0x29: {  	v3 =	vadd.s32 v1, v3;
	_ =	sdelay $0x2  }
0x2a: {  	[tilespmem:s15], [sflag:$0x2] =	stream.indirect_vreg.gather [hbm4b:s3+s4], $0x80, v4, vm0, $0xb8;
	[tilespmem:$0x10F00] =	vst v63  }
0x2b: {  	_ = 	snop  }
0x2c: {  	[tilespmem:s16], [sflag:$0x2] =	stream.indirect_vreg.gather [hbm4b:s3+s4], $0x80, v3, vm0, $0xb8;
	[tilespmem:$0x10F00] =	vst v63  }
0x2d: {  	v3 =	vld [tilespmem:s9+$0x2790];
	_ =	sdelay $0x4  }
0x2e: {  	v57 =	vshll.u32 v3, $0x1  }
0x2f: {  	v3 =	vand.u32 $0x7, v3;
	v4 =	vand.u32 $0xFFFFFFF0, v57  }
0x30: {  	v3 =	vor.u32 v3, v4  }
0x31: {  	v4 =	vperm.xlane v3, v0;
	_ =	sdelay $0x1  }
0x32: {  	v3 =	vperm.xlane v3, v2;
	v4 =	vadd.s32 v1, v4;
	_ =	sdelay $0x1  }
0x33: {  	v3 =	vadd.s32 v1, v3;
	_ =	sdelay $0x2  }
0x34: {  	[tilespmem:s17], [sflag:$0x2] =	stream.indirect_vreg.gather [hbm4b:s3+s4], $0x80, v4, vm0, $0xb8;
	[tilespmem:$0x10F00] =	vst v63  }
0x35: {  	_ = 	snop  }
0x36: {  	[tilespmem:s18], [sflag:$0x2] =	stream.indirect_vreg.gather [hbm4b:s3+s4], $0x80, v3, vm0, $0xb8;
	[tilespmem:$0x10F00] =	vst v63  }
0x37: {  	v3 =	vld [tilespmem:s9+$0x27A0];
	_ =	sdelay $0x4  }
0x38: {  	v58 =	vshll.u32 v3, $0x1  }
0x39: {  	v3 =	vand.u32 $0x7, v3;
	v4 =	vand.u32 $0xFFFFFFF0, v58  }
0x3a: {  	v3 =	vor.u32 v3, v4  }
0x3b: {  	v4 =	vperm.xlane v3, v0;
	_ =	sdelay $0x1  }
0x3c: {  	v3 =	vperm.xlane v3, v2;
	v4 =	vadd.s32 v1, v4;
	_ =	sdelay $0x1  }
0x3d: {  	v3 =	vadd.s32 v1, v3;
	_ =	sdelay $0x2  }
0x3e: {  	[tilespmem:s19], [sflag:$0x2] =	stream.indirect_vreg.gather [hbm4b:s3+s4], $0x80, v4, vm0, $0xb8;
	[tilespmem:$0x10F00] =	vst v63  }
0x3f: {  	_ = 	snop  }
0x40: {  	[tilespmem:s20], [sflag:$0x2] =	stream.indirect_vreg.gather [hbm4b:s3+s4], $0x80, v3, vm0, $0xb8;
	[tilespmem:$0x10F00] =	vst v63  }
0x41: {  	v3 =	vld [tilespmem:s9+$0x27B0];
	_ =	sdelay $0x4  }
0x42: {  	v59 =	vshll.u32 v3, $0x1  }
0x43: {  	v3 =	vand.u32 $0x7, v3;
	v4 =	vand.u32 $0xFFFFFFF0, v59  }
0x44: {  	v3 =	vor.u32 v3, v4  }
0x45: {  	v4 =	vperm.xlane v3, v0;
	_ =	sdelay $0x1  }
0x46: {  	v3 =	vperm.xlane v3, v2;
	v4 =	vadd.s32 v1, v4;
	_ =	sdelay $0x1  }
0x47: {  	v3 =	vadd.s32 v1, v3;
	_ =	sdelay $0x2  }
0x48: {  	[tilespmem:s21], [sflag:$0x2] =	stream.indirect_vreg.gather [hbm4b:s3+s4], $0x80, v4, vm0, $0xb8;
	[tilespmem:$0x10F00] =	vst v63  }
0x49: {  	_ = 	snop  }
0x4a: {  	[tilespmem:s22], [sflag:$0x2] =	stream.indirect_vreg.gather [hbm4b:s3+s4], $0x80, v3, vm0, $0xb8;
	[tilespmem:$0x10F00] =	vst v63  }
0x4b: {  	v3 =	vld [tilespmem:s9+$0x27C0];
	_ =	sdelay $0x4  }
0x4c: {  	v60 =	vshll.u32 v3, $0x1  }
0x4d: {  	v3 =	vand.u32 $0x7, v3;
	v4 =	vand.u32 $0xFFFFFFF0, v60  }
0x4e: {  	v3 =	vor.u32 v3, v4  }
0x4f: {  	v4 =	vperm.xlane v3, v0;
	_ =	sdelay $0x1  }
0x50: {  	v3 =	vperm.xlane v3, v2;
	v4 =	vadd.s32 v1, v4;
	_ =	sdelay $0x1  }
0x51: {  	v3 =	vadd.s32 v1, v3;
	_ =	sdelay $0x2  }
0x52: {  	[tilespmem:s23], [sflag:$0x2] =	stream.indirect_vreg.gather [hbm4b:s3+s4], $0x80, v4, vm0, $0xb8;
	[tilespmem:$0x10F00] =	vst v63  }
0x53: {  	_ = 	snop  }
0x54: {  	[tilespmem:s24], [sflag:$0x2] =	stream.indirect_vreg.gather [hbm4b:s3+s4], $0x80, v3, vm0, $0xb8;
	[tilespmem:$0x10F00] =	vst v63  }
0x55: {  	v3 =	vld [tilespmem:s9+$0x27D0];
	_ =	sdelay $0x4  }
0x56: {  	v61 =	vshll.u32 v3, $0x1  }
0x57: {  	v3 =	vand.u32 $0x7, v3;
	v4 =	vand.u32 $0xFFFFFFF0, v61  }
0x58: {  	v3 =	vor.u32 v3, v4  }
0x59: {  	v4 =	vperm.xlane v3, v0;
	_ =	sdelay $0x1  }
0x5a: {  	v3 =	vperm.xlane v3, v2;
	v4 =	vadd.s32 v1, v4;
	_ =	sdelay $0x1  }
0x5b: {  	v3 =	vadd.s32 v1, v3;
	_ =	sdelay $0x2  }
0x5c: {  	[tilespmem:s25], [sflag:$0x2] =	stream.indirect_vreg.gather [hbm4b:s3+s4], $0x80, v4, vm0, $0xb8;
	[tilespmem:$0x10F00] =	vst v63  }
0x5d: {  	_ = 	snop  }
0x5e: {  	[tilespmem:s26], [sflag:$0x2] =	stream.indirect_vreg.gather [hbm4b:s3+s4], $0x80, v3, vm0, $0xb8;
	[tilespmem:$0x10F00] =	vst v63  }
0x5f: {  	v3 =	vld [tilespmem:s9+$0x27E0];
	_ =	sdelay $0x4  }
0x60: {  	v62 =	vshll.u32 v3, $0x1  }
0x61: {  	v3 =	vand.u32 $0x7, v3;
	v4 =	vand.u32 $0xFFFFFFF0, v62  }
0x62: {  	v3 =	vor.u32 v3, v4  }
0x63: {  	v4 =	vperm.xlane v3, v0;
	_ =	sdelay $0x1  }
0x64: {  	v3 =	vperm.xlane v3, v2;
	v4 =	vadd.s32 v1, v4;
	_ =	sdelay $0x1  }
0x65: {  	v3 =	vadd.s32 v1, v3;
	_ =	sdelay $0x2  }
0x66: {  	[tilespmem:s28], [sflag:$0x2] =	stream.indirect_vreg.gather [hbm4b:s3+s4], $0x80, v4, vm0, $0xb8;
	[tilespmem:$0x10F00] =	vst v63  }
0x67: {  	_ = 	snop  }
0x68: {  	[tilespmem:s29], [sflag:$0x2] =	stream.indirect_vreg.gather [hbm4b:s3+s4], $0x80, v3, vm0, $0xb8;
	[tilespmem:$0x10F00] =	vst v63  }
0x69: {  	v3 =	vld [tilespmem:s9+$0x27F0];
	_ =	sdelay $0x4  }
0x6a: {  	v63 =	vshll.u32 v3, $0x1  }
0x6b: {  	v3 =	vand.u32 $0x7, v3;
	v4 =	vand.u32 $0xFFFFFFF0, v63  }
0x6c: {  	v3 =	vor.u32 v3, v4  }
0x6d: {  	v4 =	vperm.xlane v3, v0;
	_ =	sdelay $0x1  }
0x6e: {  	v3 =	vperm.xlane v3, v2;
	v4 =	vadd.s32 v1, v4;
	_ =	sdelay $0x1  }
0x6f: {  	v3 =	vadd.s32 v1, v3;
	_ =	sdelay $0x2  }
0x70: {  	[tilespmem:s30], [sflag:$0x2] =	stream.indirect_vreg.gather [hbm4b:s3+s4], $0x80, v4, vm0, $0xb8;
	[tilespmem:$0x10F00] =	vst v63  }
0x71: {  	_ = 	snop  }
0x72: {  	[tilespmem:s31], [sflag:$0x2] =	stream.indirect_vreg.gather [hbm4b:s3+s4], $0x80, v3, vm0, $0xb8;
	[tilespmem:$0x10F00] =	vst v63  }
0x73: {  	_ =	swait.ge [sflag:s1], $0x4000  }
0x74: {  	[sflag:s1] =	ssyncset.done $0x0  }
0x75: {  	[sflag:s1] =	ssyncadd.s32 $0xFFFFC000  }
0x76: {  	[hbm4b:s10+s4] =	stream.linear.scatter [tilespmem:s14], [sflag:$0x3], $0x4000, $0x38;
	[tilespmem:$0x10F00] =	vst v63  }
0x77: {  	_ =	swait.ge [sflag:s0], $0x8000  }
0x78: {  	[sflag:s0] =	ssyncset.done $0x0  }
0x79: {  	[sflag:s0] =	ssyncadd.s32 $0xFFFF8000  }
0x7a: {  	[hbm4b:s11+s4] =	stream.linear.scatter [tilespmem:s15], [sflag:$0x4], $0x8000, $0x38;
	[tilespmem:$0x10F00] =	vst v63  }
0x7b: {  	p0 =	sne.s32 s8, $0x9A00;
	_ =	swait.ge [sflag:s12], $0x8000  }
.Ltmp0:
0x7c: {  	[sflag:s12] =	ssyncset.done $0x0;
	(pc) =	sbr.rel @p0 .LBB2_2-.Ltmp0, $4  }
0x7d: {  	[sflag:s12] =	ssyncadd.s32 $0xFFFF8000  }
0x7e: {  	_ =	swait.ge [sflag:s13], $0x4000  }
0x7f: {  	s8 =	sadd.s32 $0x200, s8;
	[sflag:s13] =	ssyncset.done $0x0  }
0x80: {  	s10 =	sadd.s32 $0x800, s10;
	s11 =	sadd.s32 $0x1000, s11;
	[sflag:s13] =	ssyncadd.s32 $0xFFFFC000  }
0x81: {  	s7 =	simm.s32 $0x10;
	s8 =	simm.s32 $0x2700  }
0x82: {  	[tilespmem:s14], [sflag:$0x1] =	stream.indirect.gather [hbm4b:s2+s7], $0x80, s8, s7, $0xb8;
	[tilespmem:$0x10F00] =	vst v63  }
0x83: {  	v3 =	vld [tilespmem:$0x4E80];
	_ =	sdelay $0x4  }
0x84: {  	v4 =	vshll.u32 v3, $0x1  }
0x85: {  	v3 =	vand.u32 $0x7, v3;
	v4 =	vand.u32 $0xFFFFFFF0, v4  }
0x86: {  	v3 =	vor.u32 v3, v4  }
0x87: {  	v4 =	vperm.xlane v3, v0;
	_ =	sdelay $0x1  }
0x88: {  	v3 =	vperm.xlane v3, v2;
	v4 =	vadd.s32 v1, v4;
	_ =	sdelay $0x1  }
0x89: {  	v3 =	vadd.s32 v1, v3;
	_ =	sdelay $0x2  }
0x8a: {  	[tilespmem:s15], [sflag:$0x2] =	stream.indirect_vreg.gather [hbm4b:s3+s4], $0x80, v4, vm0, $0xb8;
	[tilespmem:$0x10F00] =	vst v63  }
0x8b: {  	_ = 	snop  }
0x8c: {  	[tilespmem:s16], [sflag:$0x2] =	stream.indirect_vreg.gather [hbm4b:s3+s4], $0x80, v3, vm0, $0xb8;
	[tilespmem:$0x10F00] =	vst v63  }
0x8d: {  	_ =	swait.ge [sflag:s1], $0x800  }
0x8e: {  	[sflag:s1] =	ssyncset.done $0x0  }
0x8f: {  	[sflag:s1] =	ssyncadd.s32 $0xFFFFF800  }
0x90: {  	_ =	swait.ge [sflag:s0], $0x1000  }
0x91: {  	[sflag:s0] =	ssyncset.done $0x0  }
0x92: {  	s9 =	rddreg [dreg:$0x7];
	[sflag:s0] =	ssyncadd.s32 $0xFFFFF000  }
0x93: {  	[hbm4b:s9+s4] =	stream.linear.scatter [tilespmem:s14], [sflag:$0x4], $0x800, $0x38;
	[tilespmem:$0x10F00] =	vst v63  }
0x94: {  	_ =	swait.ge [sflag:s12], $0x800  }
0x95: {  	[sflag:s12] =	ssyncset.done $0x0  }
0x96: {  	s10 =	rddreg [dreg:$0x8];
	[sflag:s12] =	ssyncadd.s32 $0xFFFFF800  }
0x97: {  	[hbm4b:s10+s4] =	stream.linear.scatter [tilespmem:s15], [sflag:$0x4], $0x1000, $0x38;
	[tilespmem:$0x10F00] =	vst v63  }
0x98: {  	_ =	swait.ge [sflag:s12], $0x1000  }
0x99: {  	s5 =	sadd.s32 $0x1, s5;
	s11 =	rddreg [dreg:$0x9]  }
0x9a: {  	p0 =	sne.s32 s5, s11  }
.Ltmp1:
0x9b: {  	_ = 	snop;
	(pc) =	sbr.rel @p0 .LBB2_1-.Ltmp1, $3  }
0x9c: {  	_ =	sdelay $0x1  }
0x9d: {  	[sflag:s12] =	ssyncset.done $0x0  }
0x9e: {  	[sflag:s12] =	ssyncadd.s32 $0xFFFFF000  }
0x9f: {  	_ =	sfence.sel $0x180000  }
0xa0: {  	[bflag:$0x0] =	sbarrier.arrive $0xFFFF  }
0xa1: {  	_ =	strace $0x90000047  }
0xa2: {  	s0 =	stileid.u32;
	[bflag:$0x2] =	sbarrier.arrive $0xFFFF  }
0xa3: {  	p0 =	sne.s32 s0, $0x0;
	s0 =	rddreg [dreg:$0x3]  }
0xa4: {  	s0 =	sadd.s32 @!p0 $0x100000, s0  }
0xa5: {  	[sflag:s0] =	ssyncadd.tile.s32 @!p0 $0x1;
	_ =	shalt  }
.Lfunc_end2:
_tile_overlayer_lowered:
.L_overlay_start_2:
0xa6: {  	(tag) =	ssettag $0x2  }
0xa7: {  	s0 =	rddreg [dreg:$0x0];
	s2 =	stileid.u32  }
0xa8: {  	s1 =	rddreg [dreg:$0x1];
	p0 =	sne.s32 s2, $0x0  }
0xa9: {  	s3 =	rddreg [dreg:$0x2];
	[bflag:$0x3] =	sbarrier.arrive $0xFFFF;
	s2 =	simm.s32 @!p0 $0x1C04  }
0xaa: {  	[timem:s3], [sflag:s2] =	dma.local @!p0 [hbm:s0], s1  }
0xab: {  	s0 =	simm.s32 @!p0 $0x4  }
0xac: {  	_ =	swait.ge @!p0 [sflag:s0], s1  }
0xad: {  	s1 =	ssub.s32 @!p0 $0x0, s1;
	[sflag:s0] =	ssyncset.done @!p0 $0x0  }
0xae: {  	[sflag:s0] =	ssyncadd.s32 @!p0 s1  }
0xaf: {  	[bflag:$0x3] =	sbarrier.arrive $0xFFFF  }
0xb0: {  	_ =	shalt  }

</sc_bundles>
